<compile_context>
chip_gen: v7x
topology: tpu7x:2x2x1
jax: 0.10.2.dev20260603
libtpu: 0.0.44.dev20260713+nightly
codegen_flags: <defaults>
</compile_context>

<pallas_src>
import jax
import jax.numpy as jnp
from jax import lax
from jax.experimental import pallas as pl
from jax.experimental.pallas import tpu as pltpu
from jax.experimental.pallas import tpu_sc as plsc

B = 4096
L = 200
N = B * L
VOCAB = 100000
WDIM = 50
TDIM = 56
PDIM = 5
ODIM = WDIM + 2 * PDIM

NC = 2
NS = 16
NW = NC * NS
ROWS_PER_W = N // NW
CHUNK = 512
SUB = 128
NSUB = CHUNK // SUB
NCHUNK = ROWS_PER_W // CHUNK
GROUPS = CHUNK // 16


def _sc_body(word_hbm, pos1_hbm, pos2_hbm, wt_hbm, p1t_hbm, p2t_hbm,
             out_hbm, idxw_v, idx1_v, idx2_v, buf_v, rows_v, p1t_v, p2t_v,
             gsem0, gsem1, wsem):
    wid = lax.axis_index("s") * NC + lax.axis_index("c")
    base0 = wid * ROWS_PER_W
    gsems = (gsem0, gsem1)

    pltpu.sync_copy(p1t_hbm, p1t_v)
    pltpu.sync_copy(p2t_hbm, p2t_v)

    iota16 = lax.iota(jnp.int32, 16)

    def fire(g, slot):
        base = pl.multiple_of(base0 + g * CHUNK, CHUNK)
        row0 = pl.multiple_of(base // SUB, NSUB)
        pltpu.sync_copy(word_hbm.at[pl.ds(row0, NSUB)], idxw_v)
        for j in range(NSUB):
            pltpu.async_copy(wt_hbm.at[idxw_v.at[j]],
                             buf_v.at[slot].at[pl.ds(j * SUB, SUB)],
                             gsems[slot])

    def drain_gather(slot):
        pltpu.make_async_copy(wt_hbm.at[pl.ds(0, CHUNK)], buf_v.at[slot],
                              gsems[slot]).wait()

    def drain_write(slot):
        pltpu.make_async_copy(rows_v.at[slot], out_hbm.at[pl.ds(0, CHUNK)],
                              wsem).wait()

    def assemble_and_write(g, slot):
        base = pl.multiple_of(base0 + g * CHUNK, CHUNK)
        row0 = pl.multiple_of(base // SUB, NSUB)
        pltpu.sync_copy(pos1_hbm.at[pl.ds(row0, NSUB)], idx1_v)
        pltpu.sync_copy(pos2_hbm.at[pl.ds(row0, NSUB)], idx2_v)

        @plsc.parallel_loop(0, CHUNK, 1, unroll=4)
        def compact_body(r):
            rows_v[slot, r, pl.ds(0, 16)] = buf_v[slot, r, pl.ds(0, 16)]
            rows_v[slot, r, pl.ds(16, 16)] = buf_v[slot, r, pl.ds(16, 16)]
            rows_v[slot, r, pl.ds(32, 16)] = buf_v[slot, r, pl.ds(32, 16)]
            rows_v[slot, r, pl.ds(40, 16)] = buf_v[slot, r, pl.ds(40, 16)]

        @plsc.parallel_loop(0, GROUPS, 1, unroll=2)
        def pos_body(k):
            j = k // (SUB // 16)
            off = (k % (SUB // 16)) * 16
            i1 = idx1_v[j, pl.ds(off, 16)]
            i2 = idx2_v[j, pl.ds(off, 16)]
            rows = k * 16 + iota16
            for col in range(PDIM):
                cvec = jnp.full((16,), col, jnp.int32)
                v1 = plsc.load_gather(p1t_v, [i1, cvec])
                plsc.store_scatter(rows_v.at[slot],
                                   [rows, jnp.full((16,), col + WDIM,
                                                   jnp.int32)], v1)
                v2 = plsc.load_gather(p2t_v, [i2, cvec])
                plsc.store_scatter(rows_v.at[slot],
                                   [rows, jnp.full((16,), col + WDIM + PDIM,
                                                   jnp.int32)], v2)

        pltpu.async_copy(rows_v.at[slot], out_hbm.at[pl.ds(base, CHUNK)],
                         wsem)

    fire(0, 0)

    def body2(h, carry):
        g = 2 * h

        drain_gather(0)
        fire(g + 1, 1)

        @pl.when(h > 0)
        def _():
            drain_write(0)

        assemble_and_write(g, 0)

        drain_gather(1)

        @pl.when(h < NCHUNK // 2 - 1)
        def _():
            fire(g + 2, 0)

        @pl.when(h > 0)
        def _():
            drain_write(1)

        assemble_and_write(g + 1, 1)
        return carry

    lax.fori_loop(0, NCHUNK // 2, body2, 0)
    drain_write(0)
    drain_write(1)


@jax.jit
def _run(word, pos1, pos2, word_table, pos1_table, pos2_table):
    wt = jnp.pad(word_table[:VOCAB], ((0, 0), (0, TDIM - WDIM)))
    mesh = plsc.VectorSubcoreMesh(core_axis_name="c", subcore_axis_name="s")
    kfn = pl.kernel(
        _sc_body,
        out_type=jax.ShapeDtypeStruct((N, ODIM), jnp.float32),
        mesh=mesh,
        compiler_params=pltpu.CompilerParams(needs_layout_passes=False,
                                             use_tc_tiling_on_sc=False),
        scratch_types=[
            pltpu.VMEM((NSUB, SUB), jnp.int32),
            pltpu.VMEM((NSUB, SUB), jnp.int32),
            pltpu.VMEM((NSUB, SUB), jnp.int32),
            pltpu.VMEM((2, CHUNK, TDIM), jnp.float32),
            pltpu.VMEM((2, CHUNK, ODIM), jnp.float32),
            pltpu.VMEM((2 * L, PDIM), jnp.float32),
            pltpu.VMEM((2 * L, PDIM), jnp.float32),
            pltpu.SemaphoreType.DMA,
            pltpu.SemaphoreType.DMA,
            pltpu.SemaphoreType.DMA,
        ],
    )
    w2 = word.reshape(N // SUB, SUB)
    p12 = pos1.reshape(N // SUB, SUB)
    p22 = pos2.reshape(N // SUB, SUB)
    out = kfn(w2, p12, p22, wt, pos1_table, pos2_table)
    return out.reshape(B, L, ODIM)


def kernel(word, pos1, pos2, word_table, pos1_table, pos2_table):
    return _run(word, pos1, pos2, word_table, pos1_table, pos2_table)

# --- scband reference (transcript-rebuilt; emitter-appended) ---
"""Pipeline reference for scband-cnnsentence-encoder-31035433681255 (READ-ONLY COPY).

The authoritative reference and input builder live on the scoring server;
editing this copy changes nothing except your own understanding.
"""

import jax, jax.numpy as jnp
import numpy as np

B = 4096
L = 200  # max_length
VOCAB = 100000
WORD_DIM = 50
POS_DIM = 5
POS_VOCAB = 2 * L  # pos1/pos2 embedding rows, as in FewRel-style Embedding


def setup_inputs(seed: int = 0) -> dict:
    key = jax.random.key(seed)
    k1, k2, k3, k4, k5, k6 = jax.random.split(key, 6)
    # integer index inputs (the 'inputs' dict of the torch module: word, pos1, pos2)
    word = jax.random.randint(k1, (B, L), 0, VOCAB, dtype=jnp.int32)
    pos1 = jax.random.randint(k2, (B, L), 0, POS_VOCAB, dtype=jnp.int32)
    pos2 = jax.random.randint(k3, (B, L), 0, POS_VOCAB, dtype=jnp.int32)
    # learned parameters: word_vec_mat-backed word table (+2 rows for UNK/BLANK)
    word_table = jax.random.normal(k4, (VOCAB + 2, WORD_DIM), dtype=jnp.float32)
    pos1_table = jax.random.normal(k5, (POS_VOCAB, POS_DIM), dtype=jnp.float32)
    pos2_table = jax.random.normal(k6, (POS_VOCAB, POS_DIM), dtype=jnp.float32)
    return {
        "word": word,
        "pos1": pos1,
        "pos2": pos2,
        "word_table": word_table,
        "pos1_table": pos1_table,
        "pos2_table": pos2_table,
    }


def reference(word, pos1, pos2, word_table, pos1_table, pos2_table):
    # Faithful to CNNSentenceEncoder.forward: x = self.embedding(inputs)
    # Embedding = concat(word_emb[word], pos1_emb[pos1], pos2_emb[pos2]) along feature dim
    w = jnp.take(word_table, word, axis=0)   # [B, L, 50]
    p1 = jnp.take(pos1_table, pos1, axis=0)  # [B, L, 5]
    p2 = jnp.take(pos2_table, pos2, axis=0)  # [B, L, 5]
    return jnp.concatenate([w, p1, p2], axis=-1)  # [B, L, 60]

if __name__ == "__main__":
    import jax
    _d = setup_inputs()
    print(jax.jit(kernel)(*tuple(_d.values())))

</pallas_src>

<mosaic_0001>
#map = affine_map<(d0, d1) -> (0, 0)>
module attributes {stable_mosaic.version = 14 : i64} {
  func.func @_sc_body(%arg0: i32, %arg1: i32, %arg2: memref<6400x128xi32, #tpu.memory_space<hbm>>, %arg3: memref<6400x128xi32, #tpu.memory_space<hbm>>, %arg4: memref<6400x128xi32, #tpu.memory_space<hbm>>, %arg5: memref<100000x56xf32, #tpu.memory_space<hbm>>, %arg6: memref<400x5xf32, #tpu.memory_space<hbm>>, %arg7: memref<400x5xf32, #tpu.memory_space<hbm>>, %arg8: memref<819200x60xf32, #tpu.memory_space<hbm>>, %arg9: memref<4x128xi32, #tpu.memory_space<vmem>>, %arg10: memref<4x128xi32, #tpu.memory_space<vmem>>, %arg11: memref<4x128xi32, #tpu.memory_space<vmem>>, %arg12: memref<2x512x56xf32, #tpu.memory_space<vmem>>, %arg13: memref<2x512x60xf32, #tpu.memory_space<vmem>>, %arg14: memref<400x5xf32, #tpu.memory_space<vmem>>, %arg15: memref<400x5xf32, #tpu.memory_space<vmem>>, %arg16: memref<!tpu.dma_semaphore, #tpu.memory_space<semaphore_mem>>, %arg17: memref<!tpu.dma_semaphore, #tpu.memory_space<semaphore_mem>>, %arg18: memref<!tpu.dma_semaphore, #tpu.memory_space<semaphore_mem>>) attributes {dimension_semantics = [#tpu.dimension_semantics<core_parallel>, #tpu.dimension_semantics<subcore_parallel>], iteration_bounds = array<i64: 2, 16>, scalar_prefetch = 0 : i64, scratch_operands = 10 : i64, tpu.core_type = #tpu.core_type<sc_vector_subcore>, window_params = [{transform_indices = #map}, {transform_indices = #map}, {transform_indices = #map}, {transform_indices = #map}, {transform_indices = #map}, {transform_indices = #map}, {transform_indices = #map}]} {
    %mul3A = arith.constant 2 : i32
    %mul3A_0 = arith.muli %arg1, %mul3A : i32
    %add3A = arith.addi %mul3A_0, %arg0 : i32
    %mul3A_1 = arith.constant 25600 : i32
    %mul3A_2 = arith.muli %add3A, %mul3A_1 : i32
    "tpu.region"() ({
      %run_scoped3A = tpu.sem_alloc : memref<!tpu.dma_semaphore, #tpu.memory_space<semaphore_mem>>
      tpu.enqueue_dma source(%arg6 : memref<400x5xf32, #tpu.memory_space<hbm>>) target(%arg14 : memref<400x5xf32, #tpu.memory_space<vmem>>) target_semaphore(%run_scoped3A : memref<!tpu.dma_semaphore, #tpu.memory_space<semaphore_mem>>)
      tpu.wait_dma2 semaphore(%run_scoped3A : memref<!tpu.dma_semaphore, #tpu.memory_space<semaphore_mem>>) src(%arg6 : memref<400x5xf32, #tpu.memory_space<hbm>>) dst(%arg14 : memref<400x5xf32, #tpu.memory_space<vmem>>)
      tpu.yield
    }) : () -> ()
    "tpu.region"() ({
      %run_scoped3A = tpu.sem_alloc : memref<!tpu.dma_semaphore, #tpu.memory_space<semaphore_mem>>
      tpu.enqueue_dma source(%arg7 : memref<400x5xf32, #tpu.memory_space<hbm>>) target(%arg15 : memref<400x5xf32, #tpu.memory_space<vmem>>) target_semaphore(%run_scoped3A : memref<!tpu.dma_semaphore, #tpu.memory_space<semaphore_mem>>)
      tpu.wait_dma2 semaphore(%run_scoped3A : memref<!tpu.dma_semaphore, #tpu.memory_space<semaphore_mem>>) src(%arg7 : memref<400x5xf32, #tpu.memory_space<hbm>>) dst(%arg15 : memref<400x5xf32, #tpu.memory_space<vmem>>)
      tpu.yield
    }) : () -> ()
    %iota3A = tpu.iota {dimensions = array<i32: 0>} : vector<16xi32>
    %add3A_3 = arith.constant 0 : i32
    %add3A_4 = arith.addi %mul3A_2, %add3A_3 : i32
    %multiple_of3A = tpu.assume_multiple %add3A_4, 512 : i32
    %jit3A = arith.constant 128 : i32
    %div3A = arith.divsi %multiple_of3A, %jit3A : i32
    %sign3A = arith.constant 0 : i32
    %sign3A_5 = arith.cmpi sgt, %multiple_of3A, %sign3A : i32
    %sign3A_6 = arith.extui %sign3A_5 : i1 to i32
    %sign3A_7 = arith.constant 0 : i32
    %sign3A_8 = arith.cmpi slt, %multiple_of3A, %sign3A_7 : i32
    %sign3A_9 = arith.extui %sign3A_8 : i1 to i32
    %sign3A_10 = arith.subi %sign3A_6, %sign3A_9 : i32
    %sign3A_11 = arith.constant 0 : i32
    %sign3A_12 = arith.cmpi sgt, %jit3A, %sign3A_11 : i32
    %sign3A_13 = arith.extui %sign3A_12 : i1 to i32
    %sign3A_14 = arith.constant 0 : i32
    %sign3A_15 = arith.cmpi slt, %jit3A, %sign3A_14 : i32
    %sign3A_16 = arith.extui %sign3A_15 : i1 to i32
    %sign3A_17 = arith.subi %sign3A_13, %sign3A_16 : i32
    %ne3A = arith.cmpi ne, %sign3A_10, %sign3A_17 : i32
    %rem3A = arith.remsi %multiple_of3A, %jit3A : i32
    %ne3A_18 = arith.constant 0 : i32
    %ne3A_19 = arith.cmpi ne, %rem3A, %ne3A_18 : i32
    %and3A = arith.andi %ne3A, %ne3A_19 : i1
    %sub3A = arith.constant 1 : i32
    %sub3A_20 = arith.subi %div3A, %sub3A : i32
    %select_n3A = arith.select %and3A, %sub3A_20, %div3A : i32
    %multiple_of3A_21 = tpu.assume_multiple %select_n3A, 4 : i32
    "tpu.region"() ({
      %run_scoped3A = tpu.sem_alloc : memref<!tpu.dma_semaphore, #tpu.memory_space<semaphore_mem>>
      %dma_start3A_115 = arith.constant 0 : i32
      %dma_start3A_116 = tpu.memref_slice %arg2[%multiple_of3A_21, %dma_start3A_115] : memref<6400x128xi32, #tpu.memory_space<hbm>> -> memref<4x128xi32, #tpu.memory_space<hbm>>
      %dma_start3A_117 = arith.constant 0 : i32
      %dma_start3A_118 = tpu.memref_slice %arg2[%multiple_of3A_21, %dma_start3A_117] : memref<6400x128xi32, #tpu.memory_space<hbm>> -> memref<4x128xi32, #tpu.memory_space<hbm>>
      tpu.enqueue_dma source(%dma_start3A_118 : memref<4x128xi32, #tpu.memory_space<hbm>>) target(%arg9 : memref<4x128xi32, #tpu.memory_space<vmem>>) target_semaphore(%run_scoped3A : memref<!tpu.dma_semaphore, #tpu.memory_space<semaphore_mem>>)
      %dma_wait3A_119 = arith.constant 0 : i32
      %dma_wait3A_120 = tpu.memref_slice %arg2[%multiple_of3A_21, %dma_wait3A_119] : memref<6400x128xi32, #tpu.memory_space<hbm>> -> memref<4x128xi32, #tpu.memory_space<hbm>>
      %dma_wait3A_121 = arith.constant 0 : i32
      %dma_wait3A_122 = tpu.memref_slice %arg2[%multiple_of3A_21, %dma_wait3A_121] : memref<6400x128xi32, #tpu.memory_space<hbm>> -> memref<4x128xi32, #tpu.memory_space<hbm>>
      tpu.wait_dma2 semaphore(%run_scoped3A : memref<!tpu.dma_semaphore, #tpu.memory_space<semaphore_mem>>) src(%dma_wait3A_122 : memref<4x128xi32, #tpu.memory_space<hbm>>) dst(%arg9 : memref<4x128xi32, #tpu.memory_space<vmem>>)
      tpu.yield
    }) : () -> ()
    %dma_start3A = arith.constant 0 : i32
    %dma_start3A_22 = arith.constant 0 : i32
    %dma_start3A_23 = arith.constant 0 : i32
    %dma_start3A_24 = arith.constant 0 : i32
    %dma_start3A_25 = tpu.memref_slice %arg12[%dma_start3A_22, %dma_start3A_23, %dma_start3A_24] : memref<2x512x56xf32, #tpu.memory_space<vmem>> -> memref<1x512x56xf32, #tpu.memory_space<vmem>>
    %dma_start3A_26 = tpu.memref_squeeze %dma_start3A_25 : memref<1x512x56xf32, #tpu.memory_space<vmem>> -> memref<512x56xf32, #tpu.memory_space<vmem>>
    %dma_start3A_27 = arith.constant 0 : i32
    %dma_start3A_28 = arith.constant 0 : i32
    %dma_start3A_29 = tpu.memref_slice %dma_start3A_26[%dma_start3A_27, %dma_start3A_28] : memref<512x56xf32, #tpu.memory_space<vmem>> -> memref<128x56xf32, #tpu.memory_space<vmem>>
    %dma_start3A_30 = arith.constant 0 : i32
    %dma_start3A_31 = tpu.memref_slice %arg9[%dma_start3A, %dma_start3A_30] : memref<4x128xi32, #tpu.memory_space<vmem>> -> memref<1x128xi32, #tpu.memory_space<vmem>>
    %dma_start3A_32 = tpu.memref_squeeze %dma_start3A_31 : memref<1x128xi32, #tpu.memory_space<vmem>> -> memref<128xi32, #tpu.memory_space<vmem>>
    %dma_start3A_33 = arith.constant 0 : i32
    %dma_start3A_34 = arith.constant 0 : i32
    %dma_start3A_35 = tpu.memref_slice %arg5[%dma_start3A_33, %dma_start3A_34] : memref<100000x56xf32, #tpu.memory_space<hbm>> -> memref<100000x56xf32, #tpu.memory_space<hbm>>
    tpu.enqueue_indirect_dma source(%dma_start3A_35 : memref<100000x56xf32, #tpu.memory_space<hbm>>) target(%dma_start3A_29 : memref<128x56xf32, #tpu.memory_space<vmem>>) offsets(%dma_start3A_32 : memref<128xi32, #tpu.memory_space<vmem>>) semaphore(%arg16 : memref<!tpu.dma_semaphore, #tpu.memory_space<semaphore_mem>>)
    %dma_start3A_36 = arith.constant 1 : i32
    %dma_start3A_37 = arith.constant 0 : i32
    %dma_start3A_38 = arith.constant 0 : i32
    %dma_start3A_39 = arith.constant 0 : i32
    %dma_start3A_40 = tpu.memref_slice %arg12[%dma_start3A_37, %dma_start3A_38, %dma_start3A_39] : memref<2x512x56xf32, #tpu.memory_space<vmem>> -> memref<1x512x56xf32, #tpu.memory_space<vmem>>
    %dma_start3A_41 = tpu.memref_squeeze %dma_start3A_40 : memref<1x512x56xf32, #tpu.memory_space<vmem>> -> memref<512x56xf32, #tpu.memory_space<vmem>>
    %dma_start3A_42 = arith.constant 128 : i32
    %dma_start3A_43 = arith.constant 0 : i32
    %dma_start3A_44 = tpu.memref_slice %dma_start3A_41[%dma_start3A_42, %dma_start3A_43] : memref<512x56xf32, #tpu.memory_space<vmem>> -> memref<128x56xf32, #tpu.memory_space<vmem>>
    %dma_start3A_45 = arith.constant 0 : i32
    %dma_start3A_46 = tpu.memref_slice %arg9[%dma_start3A_36, %dma_start3A_45] : memref<4x128xi32, #tpu.memory_space<vmem>> -> memref<1x128xi32, #tpu.memory_space<vmem>>
    %dma_start3A_47 = tpu.memref_squeeze %dma_start3A_46 : memref<1x128xi32, #tpu.memory_space<vmem>> -> memref<128xi32, #tpu.memory_space<vmem>>
    %dma_start3A_48 = arith.constant 0 : i32
    %dma_start3A_49 = arith.constant 0 : i32
    %dma_start3A_50 = tpu.memref_slice %arg5[%dma_start3A_48, %dma_start3A_49] : memref<100000x56xf32, #tpu.memory_space<hbm>> -> memref<100000x56xf32, #tpu.memory_space<hbm>>
    tpu.enqueue_indirect_dma source(%dma_start3A_50 : memref<100000x56xf32, #tpu.memory_space<hbm>>) target(%dma_start3A_44 : memref<128x56xf32, #tpu.memory_space<vmem>>) offsets(%dma_start3A_47 : memref<128xi32, #tpu.memory_space<vmem>>) semaphore(%arg16 : memref<!tpu.dma_semaphore, #tpu.memory_space<semaphore_mem>>)
    %dma_start3A_51 = arith.constant 2 : i32
    %dma_start3A_52 = arith.constant 0 : i32
    %dma_start3A_53 = arith.constant 0 : i32
    %dma_start3A_54 = arith.constant 0 : i32
    %dma_start3A_55 = tpu.memref_slice %arg12[%dma_start3A_52, %dma_start3A_53, %dma_start3A_54] : memref<2x512x56xf32, #tpu.memory_space<vmem>> -> memref<1x512x56xf32, #tpu.memory_space<vmem>>
    %dma_start3A_56 = tpu.memref_squeeze %dma_start3A_55 : memref<1x512x56xf32, #tpu.memory_space<vmem>> -> memref<512x56xf32, #tpu.memory_space<vmem>>
    %dma_start3A_57 = arith.constant 256 : i32
    %dma_start3A_58 = arith.constant 0 : i32
    %dma_start3A_59 = tpu.memref_slice %dma_start3A_56[%dma_start3A_57, %dma_start3A_58] : memref<512x56xf32, #tpu.memory_space<vmem>> -> memref<128x56xf32, #tpu.memory_space<vmem>>
    %dma_start3A_60 = arith.constant 0 : i32
    %dma_start3A_61 = tpu.memref_slice %arg9[%dma_start3A_51, %dma_start3A_60] : memref<4x128xi32, #tpu.memory_space<vmem>> -> memref<1x128xi32, #tpu.memory_space<vmem>>
    %dma_start3A_62 = tpu.memref_squeeze %dma_start3A_61 : memref<1x128xi32, #tpu.memory_space<vmem>> -> memref<128xi32, #tpu.memory_space<vmem>>
    %dma_start3A_63 = arith.constant 0 : i32
    %dma_start3A_64 = arith.constant 0 : i32
    %dma_start3A_65 = tpu.memref_slice %arg5[%dma_start3A_63, %dma_start3A_64] : memref<100000x56xf32, #tpu.memory_space<hbm>> -> memref<100000x56xf32, #tpu.memory_space<hbm>>
    tpu.enqueue_indirect_dma source(%dma_start3A_65 : memref<100000x56xf32, #tpu.memory_space<hbm>>) target(%dma_start3A_59 : memref<128x56xf32, #tpu.memory_space<vmem>>) offsets(%dma_start3A_62 : memref<128xi32, #tpu.memory_space<vmem>>) semaphore(%arg16 : memref<!tpu.dma_semaphore, #tpu.memory_space<semaphore_mem>>)
    %dma_start3A_66 = arith.constant 3 : i32
    %dma_start3A_67 = arith.constant 0 : i32
    %dma_start3A_68 = arith.constant 0 : i32
    %dma_start3A_69 = arith.constant 0 : i32
    %dma_start3A_70 = tpu.memref_slice %arg12[%dma_start3A_67, %dma_start3A_68, %dma_start3A_69] : memref<2x512x56xf32, #tpu.memory_space<vmem>> -> memref<1x512x56xf32, #tpu.memory_space<vmem>>
    %dma_start3A_71 = tpu.memref_squeeze %dma_start3A_70 : memref<1x512x56xf32, #tpu.memory_space<vmem>> -> memref<512x56xf32, #tpu.memory_space<vmem>>
    %dma_start3A_72 = arith.constant 384 : i32
    %dma_start3A_73 = arith.constant 0 : i32
    %dma_start3A_74 = tpu.memref_slice %dma_start3A_71[%dma_start3A_72, %dma_start3A_73] : memref<512x56xf32, #tpu.memory_space<vmem>> -> memref<128x56xf32, #tpu.memory_space<vmem>>
    %dma_start3A_75 = arith.constant 0 : i32
    %dma_start3A_76 = tpu.memref_slice %arg9[%dma_start3A_66, %dma_start3A_75] : memref<4x128xi32, #tpu.memory_space<vmem>> -> memref<1x128xi32, #tpu.memory_space<vmem>>
    %dma_start3A_77 = tpu.memref_squeeze %dma_start3A_76 : memref<1x128xi32, #tpu.memory_space<vmem>> -> memref<128xi32, #tpu.memory_space<vmem>>
    %dma_start3A_78 = arith.constant 0 : i32
    %dma_start3A_79 = arith.constant 0 : i32
    %dma_start3A_80 = tpu.memref_slice %arg5[%dma_start3A_78, %dma_start3A_79] : memref<100000x56xf32, #tpu.memory_space<hbm>> -> memref<100000x56xf32, #tpu.memory_space<hbm>>
    tpu.enqueue_indirect_dma source(%dma_start3A_80 : memref<100000x56xf32, #tpu.memory_space<hbm>>) target(%dma_start3A_74 : memref<128x56xf32, #tpu.memory_space<vmem>>) offsets(%dma_start3A_77 : memref<128xi32, #tpu.memory_space<vmem>>) semaphore(%arg16 : memref<!tpu.dma_semaphore, #tpu.memory_space<semaphore_mem>>)
    %scan3A = arith.constant 0 : i32
    %scan3A_81 = arith.constant 0 : i32
    %scan3A_82 = arith.constant 25 : i32
    %scan3A_83 = arith.addi %scan3A_81, %scan3A_82 : i32
    %scan3A_84 = arith.constant 1 : i32
    scf.for %scan3A_115 = %scan3A_81 to %scan3A_83 step %scan3A_84  : i32 {
      %mul3A_116 = arith.constant 2 : i32
      %mul3A_117 = arith.muli %mul3A_116, %scan3A_115 : i32
      %dma_wait3A_118 = arith.constant 0 : i32
      %dma_wait3A_119 = arith.constant 0 : i32
      %dma_wait3A_120 = arith.constant 0 : i32
      %dma_wait3A_121 = tpu.memref_slice %arg12[%dma_wait3A_118, %dma_wait3A_119, %dma_wait3A_120] : memref<2x512x56xf32, #tpu.memory_space<vmem>> -> memref<1x512x56xf32, #tpu.memory_space<vmem>>
      %dma_wait3A_122 = tpu.memref_squeeze %dma_wait3A_121 : memref<1x512x56xf32, #tpu.memory_space<vmem>> -> memref<512x56xf32, #tpu.memory_space<vmem>>
      %dma_wait3A_123 = arith.constant 0 : i32
      %dma_wait3A_124 = arith.constant 0 : i32
      %dma_wait3A_125 = tpu.memref_slice %arg5[%dma_wait3A_123, %dma_wait3A_124] : memref<100000x56xf32, #tpu.memory_space<hbm>> -> memref<512x56xf32, #tpu.memory_space<hbm>>
      %dma_wait3A_126 = arith.constant 0 : i32
      %dma_wait3A_127 = arith.constant 0 : i32
      %dma_wait3A_128 = tpu.memref_slice %arg12[%dma_wait3A_118, %dma_wait3A_126, %dma_wait3A_127] : memref<2x512x56xf32, #tpu.memory_space<vmem>> -> memref<1x512x56xf32, #tpu.memory_space<vmem>>
      %dma_wait3A_129 = tpu.memref_squeeze %dma_wait3A_128 : memref<1x512x56xf32, #tpu.memory_space<vmem>> -> memref<512x56xf32, #tpu.memory_space<vmem>>
      %dma_wait3A_130 = arith.constant 0 : i32
      %dma_wait3A_131 = arith.constant 0 : i32
      %dma_wait3A_132 = tpu.memref_slice %arg5[%dma_wait3A_130, %dma_wait3A_131] : memref<100000x56xf32, #tpu.memory_space<hbm>> -> memref<512x56xf32, #tpu.memory_space<hbm>>
      tpu.wait_dma2 semaphore(%arg16 : memref<!tpu.dma_semaphore, #tpu.memory_space<semaphore_mem>>) src(%dma_wait3A_132 : memref<512x56xf32, #tpu.memory_space<hbm>>) dst(%dma_wait3A_129 : memref<512x56xf32, #tpu.memory_space<vmem>>)
      %add3A_133 = arith.constant 1 : i32
      %add3A_134 = arith.addi %mul3A_117, %add3A_133 : i32
      %mul3A_135 = arith.constant 512 : i32
      %mul3A_136 = arith.muli %add3A_134, %mul3A_135 : i32
      %add3A_137 = arith.addi %mul3A_2, %mul3A_136 : i32
      %multiple_of3A_138 = tpu.assume_multiple %add3A_137, 512 : i32
      %jit3A_139 = arith.constant 128 : i32
      %div3A_140 = arith.divsi %multiple_of3A_138, %jit3A_139 : i32
      %sign3A_141 = arith.constant 0 : i32
      %sign3A_142 = arith.cmpi sgt, %multiple_of3A_138, %sign3A_141 : i32
      %sign3A_143 = arith.extui %sign3A_142 : i1 to i32
      %sign3A_144 = arith.constant 0 : i32
      %sign3A_145 = arith.cmpi slt, %multiple_of3A_138, %sign3A_144 : i32
      %sign3A_146 = arith.extui %sign3A_145 : i1 to i32
      %sign3A_147 = arith.subi %sign3A_143, %sign3A_146 : i32
      %sign3A_148 = arith.constant 0 : i32
      %sign3A_149 = arith.cmpi sgt, %jit3A_139, %sign3A_148 : i32
      %sign3A_150 = arith.extui %sign3A_149 : i1 to i32
      %sign3A_151 = arith.constant 0 : i32
      %sign3A_152 = arith.cmpi slt, %jit3A_139, %sign3A_151 : i32
      %sign3A_153 = arith.extui %sign3A_152 : i1 to i32
      %sign3A_154 = arith.subi %sign3A_150, %sign3A_153 : i32
      %ne3A_155 = arith.cmpi ne, %sign3A_147, %sign3A_154 : i32
      %rem3A_156 = arith.remsi %multiple_of3A_138, %jit3A_139 : i32
      %ne3A_157 = arith.constant 0 : i32
      %ne3A_158 = arith.cmpi ne, %rem3A_156, %ne3A_157 : i32
      %and3A_159 = arith.andi %ne3A_155, %ne3A_158 : i1
      %sub3A_160 = arith.constant 1 : i32
      %sub3A_161 = arith.subi %div3A_140, %sub3A_160 : i32
      %select_n3A_162 = arith.select %and3A_159, %sub3A_161, %div3A_140 : i32
      %multiple_of3A_163 = tpu.assume_multiple %select_n3A_162, 4 : i32
      "tpu.region"() ({
        %run_scoped3A = tpu.sem_alloc : memref<!tpu.dma_semaphore, #tpu.memory_space<semaphore_mem>>
        %dma_start3A_347 = arith.constant 0 : i32
        %dma_start3A_348 = tpu.memref_slice %arg2[%multiple_of3A_163, %dma_start3A_347] : memref<6400x128xi32, #tpu.memory_space<hbm>> -> memref<4x128xi32, #tpu.memory_space<hbm>>
        %dma_start3A_349 = arith.constant 0 : i32
        %dma_start3A_350 = tpu.memref_slice %arg2[%multiple_of3A_163, %dma_start3A_349] : memref<6400x128xi32, #tpu.memory_space<hbm>> -> memref<4x128xi32, #tpu.memory_space<hbm>>
        tpu.enqueue_dma source(%dma_start3A_350 : memref<4x128xi32, #tpu.memory_space<hbm>>) target(%arg9 : memref<4x128xi32, #tpu.memory_space<vmem>>) target_semaphore(%run_scoped3A : memref<!tpu.dma_semaphore, #tpu.memory_space<semaphore_mem>>)
        %dma_wait3A_351 = arith.constant 0 : i32
        %dma_wait3A_352 = tpu.memref_slice %arg2[%multiple_of3A_163, %dma_wait3A_351] : memref<6400x128xi32, #tpu.memory_space<hbm>> -> memref<4x128xi32, #tpu.memory_space<hbm>>
        %dma_wait3A_353 = arith.constant 0 : i32
        %dma_wait3A_354 = tpu.memref_slice %arg2[%multiple_of3A_163, %dma_wait3A_353] : memref<6400x128xi32, #tpu.memory_space<hbm>> -> memref<4x128xi32, #tpu.memory_space<hbm>>
        tpu.wait_dma2 semaphore(%run_scoped3A : memref<!tpu.dma_semaphore, #tpu.memory_space<semaphore_mem>>) src(%dma_wait3A_354 : memref<4x128xi32, #tpu.memory_space<hbm>>) dst(%arg9 : memref<4x128xi32, #tpu.memory_space<vmem>>)
        tpu.yield
      }) : () -> ()
      %dma_start3A_164 = arith.constant 0 : i32
      %dma_start3A_165 = arith.constant 1 : i32
      %dma_start3A_166 = arith.constant 0 : i32
      %dma_start3A_167 = arith.constant 0 : i32
      %dma_start3A_168 = tpu.memref_slice %arg12[%dma_start3A_165, %dma_start3A_166, %dma_start3A_167] : memref<2x512x56xf32, #tpu.memory_space<vmem>> -> memref<1x512x56xf32, #tpu.memory_space<vmem>>
      %dma_start3A_169 = tpu.memref_squeeze %dma_start3A_168 : memref<1x512x56xf32, #tpu.memory_space<vmem>> -> memref<512x56xf32, #tpu.memory_space<vmem>>
      %dma_start3A_170 = arith.constant 0 : i32
      %dma_start3A_171 = arith.constant 0 : i32
      %dma_start3A_172 = tpu.memref_slice %dma_start3A_169[%dma_start3A_170, %dma_start3A_171] : memref<512x56xf32, #tpu.memory_space<vmem>> -> memref<128x56xf32, #tpu.memory_space<vmem>>
      %dma_start3A_173 = arith.constant 0 : i32
      %dma_start3A_174 = tpu.memref_slice %arg9[%dma_start3A_164, %dma_start3A_173] : memref<4x128xi32, #tpu.memory_space<vmem>> -> memref<1x128xi32, #tpu.memory_space<vmem>>
      %dma_start3A_175 = tpu.memref_squeeze %dma_start3A_174 : memref<1x128xi32, #tpu.memory_space<vmem>> -> memref<128xi32, #tpu.memory_space<vmem>>
      %dma_start3A_176 = arith.constant 0 : i32
      %dma_start3A_177 = arith.constant 0 : i32
      %dma_start3A_178 = tpu.memref_slice %arg5[%dma_start3A_176, %dma_start3A_177] : memref<100000x56xf32, #tpu.memory_space<hbm>> -> memref<100000x56xf32, #tpu.memory_space<hbm>>
      tpu.enqueue_indirect_dma source(%dma_start3A_178 : memref<100000x56xf32, #tpu.memory_space<hbm>>) target(%dma_start3A_172 : memref<128x56xf32, #tpu.memory_space<vmem>>) offsets(%dma_start3A_175 : memref<128xi32, #tpu.memory_space<vmem>>) semaphore(%arg17 : memref<!tpu.dma_semaphore, #tpu.memory_space<semaphore_mem>>)
      %dma_start3A_179 = arith.constant 1 : i32
      %dma_start3A_180 = arith.constant 1 : i32
      %dma_start3A_181 = arith.constant 0 : i32
      %dma_start3A_182 = arith.constant 0 : i32
      %dma_start3A_183 = tpu.memref_slice %arg12[%dma_start3A_180, %dma_start3A_181, %dma_start3A_182] : memref<2x512x56xf32, #tpu.memory_space<vmem>> -> memref<1x512x56xf32, #tpu.memory_space<vmem>>
      %dma_start3A_184 = tpu.memref_squeeze %dma_start3A_183 : memref<1x512x56xf32, #tpu.memory_space<vmem>> -> memref<512x56xf32, #tpu.memory_space<vmem>>
      %dma_start3A_185 = arith.constant 128 : i32
      %dma_start3A_186 = arith.constant 0 : i32
      %dma_start3A_187 = tpu.memref_slice %dma_start3A_184[%dma_start3A_185, %dma_start3A_186] : memref<512x56xf32, #tpu.memory_space<vmem>> -> memref<128x56xf32, #tpu.memory_space<vmem>>
      %dma_start3A_188 = arith.constant 0 : i32
      %dma_start3A_189 = tpu.memref_slice %arg9[%dma_start3A_179, %dma_start3A_188] : memref<4x128xi32, #tpu.memory_space<vmem>> -> memref<1x128xi32, #tpu.memory_space<vmem>>
      %dma_start3A_190 = tpu.memref_squeeze %dma_start3A_189 : memref<1x128xi32, #tpu.memory_space<vmem>> -> memref<128xi32, #tpu.memory_space<vmem>>
      %dma_start3A_191 = arith.constant 0 : i32
      %dma_start3A_192 = arith.constant 0 : i32
      %dma_start3A_193 = tpu.memref_slice %arg5[%dma_start3A_191, %dma_start3A_192] : memref<100000x56xf32, #tpu.memory_space<hbm>> -> memref<100000x56xf32, #tpu.memory_space<hbm>>
      tpu.enqueue_indirect_dma source(%dma_start3A_193 : memref<100000x56xf32, #tpu.memory_space<hbm>>) target(%dma_start3A_187 : memref<128x56xf32, #tpu.memory_space<vmem>>) offsets(%dma_start3A_190 : memref<128xi32, #tpu.memory_space<vmem>>) semaphore(%arg17 : memref<!tpu.dma_semaphore, #tpu.memory_space<semaphore_mem>>)
      %dma_start3A_194 = arith.constant 2 : i32
      %dma_start3A_195 = arith.constant 1 : i32
      %dma_start3A_196 = arith.constant 0 : i32
      %dma_start3A_197 = arith.constant 0 : i32
      %dma_start3A_198 = tpu.memref_slice %arg12[%dma_start3A_195, %dma_start3A_196, %dma_start3A_197] : memref<2x512x56xf32, #tpu.memory_space<vmem>> -> memref<1x512x56xf32, #tpu.memory_space<vmem>>
      %dma_start3A_199 = tpu.memref_squeeze %dma_start3A_198 : memref<1x512x56xf32, #tpu.memory_space<vmem>> -> memref<512x56xf32, #tpu.memory_space<vmem>>
      %dma_start3A_200 = arith.constant 256 : i32
      %dma_start3A_201 = arith.constant 0 : i32
      %dma_start3A_202 = tpu.memref_slice %dma_start3A_199[%dma_start3A_200, %dma_start3A_201] : memref<512x56xf32, #tpu.memory_space<vmem>> -> memref<128x56xf32, #tpu.memory_space<vmem>>
      %dma_start3A_203 = arith.constant 0 : i32
      %dma_start3A_204 = tpu.memref_slice %arg9[%dma_start3A_194, %dma_start3A_203] : memref<4x128xi32, #tpu.memory_space<vmem>> -> memref<1x128xi32, #tpu.memory_space<vmem>>
      %dma_start3A_205 = tpu.memref_squeeze %dma_start3A_204 : memref<1x128xi32, #tpu.memory_space<vmem>> -> memref<128xi32, #tpu.memory_space<vmem>>
      %dma_start3A_206 = arith.constant 0 : i32
      %dma_start3A_207 = arith.constant 0 : i32
      %dma_start3A_208 = tpu.memref_slice %arg5[%dma_start3A_206, %dma_start3A_207] : memref<100000x56xf32, #tpu.memory_space<hbm>> -> memref<100000x56xf32, #tpu.memory_space<hbm>>
      tpu.enqueue_indirect_dma source(%dma_start3A_208 : memref<100000x56xf32, #tpu.memory_space<hbm>>) target(%dma_start3A_202 : memref<128x56xf32, #tpu.memory_space<vmem>>) offsets(%dma_start3A_205 : memref<128xi32, #tpu.memory_space<vmem>>) semaphore(%arg17 : memref<!tpu.dma_semaphore, #tpu.memory_space<semaphore_mem>>)
      %dma_start3A_209 = arith.constant 3 : i32
      %dma_start3A_210 = arith.constant 1 : i32
      %dma_start3A_211 = arith.constant 0 : i32
      %dma_start3A_212 = arith.constant 0 : i32
      %dma_start3A_213 = tpu.memref_slice %arg12[%dma_start3A_210, %dma_start3A_211, %dma_start3A_212] : memref<2x512x56xf32, #tpu.memory_space<vmem>> -> memref<1x512x56xf32, #tpu.memory_space<vmem>>
      %dma_start3A_214 = tpu.memref_squeeze %dma_start3A_213 : memref<1x512x56xf32, #tpu.memory_space<vmem>> -> memref<512x56xf32, #tpu.memory_space<vmem>>
      %dma_start3A_215 = arith.constant 384 : i32
      %dma_start3A_216 = arith.constant 0 : i32
      %dma_start3A_217 = tpu.memref_slice %dma_start3A_214[%dma_start3A_215, %dma_start3A_216] : memref<512x56xf32, #tpu.memory_space<vmem>> -> memref<128x56xf32, #tpu.memory_space<vmem>>
      %dma_start3A_218 = arith.constant 0 : i32
      %dma_start3A_219 = tpu.memref_slice %arg9[%dma_start3A_209, %dma_start3A_218] : memref<4x128xi32, #tpu.memory_space<vmem>> -> memref<1x128xi32, #tpu.memory_space<vmem>>
      %dma_start3A_220 = tpu.memref_squeeze %dma_start3A_219 : memref<1x128xi32, #tpu.memory_space<vmem>> -> memref<128xi32, #tpu.memory_space<vmem>>
      %dma_start3A_221 = arith.constant 0 : i32
      %dma_start3A_222 = arith.constant 0 : i32
      %dma_start3A_223 = tpu.memref_slice %arg5[%dma_start3A_221, %dma_start3A_222] : memref<100000x56xf32, #tpu.memory_space<hbm>> -> memref<100000x56xf32, #tpu.memory_space<hbm>>
      tpu.enqueue_indirect_dma source(%dma_start3A_223 : memref<100000x56xf32, #tpu.memory_space<hbm>>) target(%dma_start3A_217 : memref<128x56xf32, #tpu.memory_space<vmem>>) offsets(%dma_start3A_220 : memref<128xi32, #tpu.memory_space<vmem>>) semaphore(%arg17 : memref<!tpu.dma_semaphore, #tpu.memory_space<semaphore_mem>>)
      %gt3A = arith.constant 0 : i32
      %gt3A_224 = arith.cmpi sgt, %scan3A_115, %gt3A : i32
      %convert_element_type3A = arith.extui %gt3A_224 : i1 to i32
      %cond3A = arith.constant 0 : i32
      %cond3A_225 = arith.cmpi ne, %convert_element_type3A, %cond3A : i32
      scf.if %cond3A_225 {
        %dma_wait3A_347 = arith.constant 0 : i32
        %dma_wait3A_348 = arith.constant 0 : i32
        %dma_wait3A_349 = arith.constant 0 : i32
        %dma_wait3A_350 = tpu.memref_slice %arg13[%dma_wait3A_347, %dma_wait3A_348, %dma_wait3A_349] : memref<2x512x60xf32, #tpu.memory_space<vmem>> -> memref<1x512x60xf32, #tpu.memory_space<vmem>>
        %dma_wait3A_351 = tpu.memref_squeeze %dma_wait3A_350 : memref<1x512x60xf32, #tpu.memory_space<vmem>> -> memref<512x60xf32, #tpu.memory_space<vmem>>
        %dma_wait3A_352 = arith.constant 0 : i32
        %dma_wait3A_353 = arith.constant 0 : i32
        %dma_wait3A_354 = tpu.memref_slice %arg8[%dma_wait3A_352, %dma_wait3A_353] : memref<819200x60xf32, #tpu.memory_space<hbm>> -> memref<512x60xf32, #tpu.memory_space<hbm>>
        %dma_wait3A_355 = arith.constant 0 : i32
        %dma_wait3A_356 = arith.constant 0 : i32
        %dma_wait3A_357 = tpu.memref_slice %arg8[%dma_wait3A_355, %dma_wait3A_356] : memref<819200x60xf32, #tpu.memory_space<hbm>> -> memref<512x60xf32, #tpu.memory_space<hbm>>
        %dma_wait3A_358 = arith.constant 0 : i32
        %dma_wait3A_359 = arith.constant 0 : i32
        %dma_wait3A_360 = tpu.memref_slice %arg13[%dma_wait3A_347, %dma_wait3A_358, %dma_wait3A_359] : memref<2x512x60xf32, #tpu.memory_space<vmem>> -> memref<1x512x60xf32, #tpu.memory_space<vmem>>
        %dma_wait3A_361 = tpu.memref_squeeze %dma_wait3A_360 : memref<1x512x60xf32, #tpu.memory_space<vmem>> -> memref<512x60xf32, #tpu.memory_space<vmem>>
        tpu.wait_dma2 semaphore(%arg18 : memref<!tpu.dma_semaphore, #tpu.memory_space<semaphore_mem>>) src(%dma_wait3A_361 : memref<512x60xf32, #tpu.memory_space<vmem>>) dst(%dma_wait3A_357 : memref<512x60xf32, #tpu.memory_space<hbm>>)
      } else {
      }
      %mul3A_226 = arith.constant 512 : i32
      %mul3A_227 = arith.muli %mul3A_117, %mul3A_226 : i32
      %add3A_228 = arith.addi %mul3A_2, %mul3A_227 : i32
      %multiple_of3A_229 = tpu.assume_multiple %add3A_228, 512 : i32
      %jit3A_230 = arith.constant 128 : i32
      %div3A_231 = arith.divsi %multiple_of3A_229, %jit3A_230 : i32
      %sign3A_232 = arith.constant 0 : i32
      %sign3A_233 = arith.cmpi sgt, %multiple_of3A_229, %sign3A_232 : i32
      %sign3A_234 = arith.extui %sign3A_233 : i1 to i32
      %sign3A_235 = arith.constant 0 : i32
      %sign3A_236 = arith.cmpi slt, %multiple_of3A_229, %sign3A_235 : i32
      %sign3A_237 = arith.extui %sign3A_236 : i1 to i32
      %sign3A_238 = arith.subi %sign3A_234, %sign3A_237 : i32
      %sign3A_239 = arith.constant 0 : i32
      %sign3A_240 = arith.cmpi sgt, %jit3A_230, %sign3A_239 : i32
      %sign3A_241 = arith.extui %sign3A_240 : i1 to i32
      %sign3A_242 = arith.constant 0 : i32
      %sign3A_243 = arith.cmpi slt, %jit3A_230, %sign3A_242 : i32
      %sign3A_244 = arith.extui %sign3A_243 : i1 to i32
      %sign3A_245 = arith.subi %sign3A_241, %sign3A_244 : i32
      %ne3A_246 = arith.cmpi ne, %sign3A_238, %sign3A_245 : i32
      %rem3A_247 = arith.remsi %multiple_of3A_229, %jit3A_230 : i32
      %ne3A_248 = arith.constant 0 : i32
      %ne3A_249 = arith.cmpi ne, %rem3A_247, %ne3A_248 : i32
      %and3A_250 = arith.andi %ne3A_246, %ne3A_249 : i1
      %sub3A_251 = arith.constant 1 : i32
      %sub3A_252 = arith.subi %div3A_231, %sub3A_251 : i32
      %select_n3A_253 = arith.select %and3A_250, %sub3A_252, %div3A_231 : i32
      %multiple_of3A_254 = tpu.assume_multiple %select_n3A_253, 4 : i32
      "tpu.region"() ({
        %run_scoped3A = tpu.sem_alloc : memref<!tpu.dma_semaphore, #tpu.memory_space<semaphore_mem>>
        %dma_start3A_347 = arith.constant 0 : i32
        %dma_start3A_348 = tpu.memref_slice %arg3[%multiple_of3A_254, %dma_start3A_347] : memref<6400x128xi32, #tpu.memory_space<hbm>> -> memref<4x128xi32, #tpu.memory_space<hbm>>
        %dma_start3A_349 = arith.constant 0 : i32
        %dma_start3A_350 = tpu.memref_slice %arg3[%multiple_of3A_254, %dma_start3A_349] : memref<6400x128xi32, #tpu.memory_space<hbm>> -> memref<4x128xi32, #tpu.memory_space<hbm>>
        tpu.enqueue_dma source(%dma_start3A_350 : memref<4x128xi32, #tpu.memory_space<hbm>>) target(%arg10 : memref<4x128xi32, #tpu.memory_space<vmem>>) target_semaphore(%run_scoped3A : memref<!tpu.dma_semaphore, #tpu.memory_space<semaphore_mem>>)
        %dma_wait3A_351 = arith.constant 0 : i32
        %dma_wait3A_352 = tpu.memref_slice %arg3[%multiple_of3A_254, %dma_wait3A_351] : memref<6400x128xi32, #tpu.memory_space<hbm>> -> memref<4x128xi32, #tpu.memory_space<hbm>>
        %dma_wait3A_353 = arith.constant 0 : i32
        %dma_wait3A_354 = tpu.memref_slice %arg3[%multiple_of3A_254, %dma_wait3A_353] : memref<6400x128xi32, #tpu.memory_space<hbm>> -> memref<4x128xi32, #tpu.memory_space<hbm>>
        tpu.wait_dma2 semaphore(%run_scoped3A : memref<!tpu.dma_semaphore, #tpu.memory_space<semaphore_mem>>) src(%dma_wait3A_354 : memref<4x128xi32, #tpu.memory_space<hbm>>) dst(%arg10 : memref<4x128xi32, #tpu.memory_space<vmem>>)
        tpu.yield
      }) : () -> ()
      "tpu.region"() ({
        %run_scoped3A = tpu.sem_alloc : memref<!tpu.dma_semaphore, #tpu.memory_space<semaphore_mem>>
        %dma_start3A_347 = arith.constant 0 : i32
        %dma_start3A_348 = tpu.memref_slice %arg4[%multiple_of3A_254, %dma_start3A_347] : memref<6400x128xi32, #tpu.memory_space<hbm>> -> memref<4x128xi32, #tpu.memory_space<hbm>>
        %dma_start3A_349 = arith.constant 0 : i32
        %dma_start3A_350 = tpu.memref_slice %arg4[%multiple_of3A_254, %dma_start3A_349] : memref<6400x128xi32, #tpu.memory_space<hbm>> -> memref<4x128xi32, #tpu.memory_space<hbm>>
        tpu.enqueue_dma source(%dma_start3A_350 : memref<4x128xi32, #tpu.memory_space<hbm>>) target(%arg11 : memref<4x128xi32, #tpu.memory_space<vmem>>) target_semaphore(%run_scoped3A : memref<!tpu.dma_semaphore, #tpu.memory_space<semaphore_mem>>)
        %dma_wait3A_351 = arith.constant 0 : i32
        %dma_wait3A_352 = tpu.memref_slice %arg4[%multiple_of3A_254, %dma_wait3A_351] : memref<6400x128xi32, #tpu.memory_space<hbm>> -> memref<4x128xi32, #tpu.memory_space<hbm>>
        %dma_wait3A_353 = arith.constant 0 : i32
        %dma_wait3A_354 = tpu.memref_slice %arg4[%multiple_of3A_254, %dma_wait3A_353] : memref<6400x128xi32, #tpu.memory_space<hbm>> -> memref<4x128xi32, #tpu.memory_space<hbm>>
        tpu.wait_dma2 semaphore(%run_scoped3A : memref<!tpu.dma_semaphore, #tpu.memory_space<semaphore_mem>>) src(%dma_wait3A_354 : memref<4x128xi32, #tpu.memory_space<hbm>>) dst(%arg11 : memref<4x128xi32, #tpu.memory_space<vmem>>)
        tpu.yield
      }) : () -> ()
      %parallel_loop3A = arith.constant 0 : i32
      %parallel_loop3A_255 = arith.constant 512 : i32
      %parallel_loop3A_256 = arith.constant 1 : i32
      scf.for %parallel_loop3A_347 = %parallel_loop3A to %parallel_loop3A_255 step %parallel_loop3A_256  : i32 {
        %parallel_loop3A_348 = arith.constant 0 : i32
        %parallel_loop3A_349 = arith.index_cast %parallel_loop3A_348 : i32 to index
        %parallel_loop3A_350 = arith.index_cast %parallel_loop3A_347 : i32 to index
        %parallel_loop3A_351 = arith.constant 0 : index
        %parallel_loop3A_352 = tpu.vector_load %arg12[%parallel_loop3A_349, %parallel_loop3A_350, %parallel_loop3A_351] {strides = array<i32>} : memref<2x512x56xf32, #tpu.memory_space<vmem>>, vector<16xf32>,
        %parallel_loop3A_353 = arith.constant 0 : i32
        %parallel_loop3A_354 = arith.index_cast %parallel_loop3A_353 : i32 to index
        %parallel_loop3A_355 = arith.index_cast %parallel_loop3A_347 : i32 to index
        %parallel_loop3A_356 = arith.constant 0 : index
        %parallel_loop3A_357 = tpu.vector_load %arg13[%parallel_loop3A_354, %parallel_loop3A_355, %parallel_loop3A_356] {strides = array<i32>} : memref<2x512x60xf32, #tpu.memory_space<vmem>>, vector<16xf32>,
        tpu.vector_store %arg13[%parallel_loop3A_354, %parallel_loop3A_355, %parallel_loop3A_356], %parallel_loop3A_352 {strides = array<i32>} : memref<2x512x60xf32, #tpu.memory_space<vmem>>, vector<16xf32>,
        %parallel_loop3A_358 = arith.constant 0 : i32
        %parallel_loop3A_359 = arith.index_cast %parallel_loop3A_358 : i32 to index
        %parallel_loop3A_360 = arith.index_cast %parallel_loop3A_347 : i32 to index
        %parallel_loop3A_361 = arith.constant 16 : index
        %parallel_loop3A_362 = tpu.vector_load %arg12[%parallel_loop3A_359, %parallel_loop3A_360, %parallel_loop3A_361] {strides = array<i32>} : memref<2x512x56xf32, #tpu.memory_space<vmem>>, vector<16xf32>,
        %parallel_loop3A_363 = arith.constant 0 : i32
        %parallel_loop3A_364 = arith.index_cast %parallel_loop3A_363 : i32 to index
        %parallel_loop3A_365 = arith.index_cast %parallel_loop3A_347 : i32 to index
        %parallel_loop3A_366 = arith.constant 16 : index
        %parallel_loop3A_367 = tpu.vector_load %arg13[%parallel_loop3A_364, %parallel_loop3A_365, %parallel_loop3A_366] {strides = array<i32>} : memref<2x512x60xf32, #tpu.memory_space<vmem>>, vector<16xf32>,
        tpu.vector_store %arg13[%parallel_loop3A_364, %parallel_loop3A_365, %parallel_loop3A_366], %parallel_loop3A_362 {strides = array<i32>} : memref<2x512x60xf32, #tpu.memory_space<vmem>>, vector<16xf32>,
        %parallel_loop3A_368 = arith.constant 0 : i32
        %parallel_loop3A_369 = arith.index_cast %parallel_loop3A_368 : i32 to index
        %parallel_loop3A_370 = arith.index_cast %parallel_loop3A_347 : i32 to index
        %parallel_loop3A_371 = arith.constant 32 : index
        %parallel_loop3A_372 = tpu.vector_load %arg12[%parallel_loop3A_369, %parallel_loop3A_370, %parallel_loop3A_371] {strides = array<i32>} : memref<2x512x56xf32, #tpu.memory_space<vmem>>, vector<16xf32>,
        %parallel_loop3A_373 = arith.constant 0 : i32
        %parallel_loop3A_374 = arith.index_cast %parallel_loop3A_373 : i32 to index
        %parallel_loop3A_375 = arith.index_cast %parallel_loop3A_347 : i32 to index
        %parallel_loop3A_376 = arith.constant 32 : index
        %parallel_loop3A_377 = tpu.vector_load %arg13[%parallel_loop3A_374, %parallel_loop3A_375, %parallel_loop3A_376] {strides = array<i32>} : memref<2x512x60xf32, #tpu.memory_space<vmem>>, vector<16xf32>,
        tpu.vector_store %arg13[%parallel_loop3A_374, %parallel_loop3A_375, %parallel_loop3A_376], %parallel_loop3A_372 {strides = array<i32>} : memref<2x512x60xf32, #tpu.memory_space<vmem>>, vector<16xf32>,
        %parallel_loop3A_378 = arith.constant 0 : i32
        %parallel_loop3A_379 = arith.index_cast %parallel_loop3A_378 : i32 to index
        %parallel_loop3A_380 = arith.index_cast %parallel_loop3A_347 : i32 to index
        %parallel_loop3A_381 = arith.constant 40 : index
        %parallel_loop3A_382 = tpu.vector_load %arg12[%parallel_loop3A_379, %parallel_loop3A_380, %parallel_loop3A_381] {strides = array<i32>} : memref<2x512x56xf32, #tpu.memory_space<vmem>>, vector<16xf32>,
        %parallel_loop3A_383 = arith.constant 0 : i32
        %parallel_loop3A_384 = arith.index_cast %parallel_loop3A_383 : i32 to index
        %parallel_loop3A_385 = arith.index_cast %parallel_loop3A_347 : i32 to index
        %parallel_loop3A_386 = arith.constant 40 : index
        %parallel_loop3A_387 = tpu.vector_load %arg13[%parallel_loop3A_384, %parallel_loop3A_385, %parallel_loop3A_386] {strides = array<i32>} : memref<2x512x60xf32, #tpu.memory_space<vmem>>, vector<16xf32>,
        tpu.vector_store %arg13[%parallel_loop3A_384, %parallel_loop3A_385, %parallel_loop3A_386], %parallel_loop3A_382 {strides = array<i32>} : memref<2x512x60xf32, #tpu.memory_space<vmem>>, vector<16xf32>,
      } {sc.loop_unroll_factor = 4 : i64, sc.parallel_access}
      %parallel_loop3A_257 = arith.constant 0 : i32
      %parallel_loop3A_258 = arith.constant 32 : i32
      %parallel_loop3A_259 = arith.constant 1 : i32
      scf.for %parallel_loop3A_347 = %parallel_loop3A_257 to %parallel_loop3A_258 step %parallel_loop3A_259  : i32 {
        %parallel_loop3A_348 = arith.constant 8 : i32
        %parallel_loop3A_349 = arith.divsi %parallel_loop3A_347, %parallel_loop3A_348 : i32
        %parallel_loop3A_350 = arith.constant 0 : i32
        %parallel_loop3A_351 = arith.cmpi sgt, %parallel_loop3A_347, %parallel_loop3A_350 : i32
        %parallel_loop3A_352 = arith.extui %parallel_loop3A_351 : i1 to i32
        %parallel_loop3A_353 = arith.constant 0 : i32
        %parallel_loop3A_354 = arith.cmpi slt, %parallel_loop3A_347, %parallel_loop3A_353 : i32
        %parallel_loop3A_355 = arith.extui %parallel_loop3A_354 : i1 to i32
        %parallel_loop3A_356 = arith.subi %parallel_loop3A_352, %parallel_loop3A_355 : i32
        %parallel_loop3A_357 = arith.constant 0 : i32
        %parallel_loop3A_358 = arith.cmpi sgt, %parallel_loop3A_348, %parallel_loop3A_357 : i32
        %parallel_loop3A_359 = arith.extui %parallel_loop3A_358 : i1 to i32
        %parallel_loop3A_360 = arith.constant 0 : i32
        %parallel_loop3A_361 = arith.cmpi slt, %parallel_loop3A_348, %parallel_loop3A_360 : i32
        %parallel_loop3A_362 = arith.extui %parallel_loop3A_361 : i1 to i32
        %parallel_loop3A_363 = arith.subi %parallel_loop3A_359, %parallel_loop3A_362 : i32
        %parallel_loop3A_364 = arith.cmpi ne, %parallel_loop3A_356, %parallel_loop3A_363 : i32
        %parallel_loop3A_365 = arith.remsi %parallel_loop3A_347, %parallel_loop3A_348 : i32
        %parallel_loop3A_366 = arith.constant 0 : i32
        %parallel_loop3A_367 = arith.cmpi ne, %parallel_loop3A_365, %parallel_loop3A_366 : i32
        %parallel_loop3A_368 = arith.andi %parallel_loop3A_364, %parallel_loop3A_367 : i1
        %parallel_loop3A_369 = arith.constant 1 : i32
        %parallel_loop3A_370 = arith.subi %parallel_loop3A_349, %parallel_loop3A_369 : i32
        %parallel_loop3A_371 = arith.select %parallel_loop3A_368, %parallel_loop3A_370, %parallel_loop3A_349 : i32
        %parallel_loop3A_372 = arith.constant 8 : i32
        %parallel_loop3A_373 = arith.constant 0 : i32
        %parallel_loop3A_374 = arith.cmpi eq, %parallel_loop3A_372, %parallel_loop3A_373 : i32
        %parallel_loop3A_375 = arith.constant 1 : i32
        %parallel_loop3A_376 = arith.select %parallel_loop3A_374, %parallel_loop3A_375, %parallel_loop3A_372 : i32
        %parallel_loop3A_377 = arith.remsi %parallel_loop3A_347, %parallel_loop3A_376 : i32
        %parallel_loop3A_378 = arith.constant 0 : i32
        %parallel_loop3A_379 = arith.cmpi ne, %parallel_loop3A_377, %parallel_loop3A_378 : i32
        %parallel_loop3A_380 = arith.constant 0 : i32
        %parallel_loop3A_381 = arith.cmpi slt, %parallel_loop3A_377, %parallel_loop3A_380 : i32
        %parallel_loop3A_382 = arith.constant 0 : i32
        %parallel_loop3A_383 = arith.cmpi slt, %parallel_loop3A_376, %parallel_loop3A_382 : i32
        %parallel_loop3A_384 = arith.xori %parallel_loop3A_381, %parallel_loop3A_383 : i1
        %parallel_loop3A_385 = arith.andi %parallel_loop3A_384, %parallel_loop3A_379 : i1
        %parallel_loop3A_386 = arith.addi %parallel_loop3A_377, %parallel_loop3A_376 : i32
        %parallel_loop3A_387 = arith.select %parallel_loop3A_385, %parallel_loop3A_386, %parallel_loop3A_377 : i32
        %parallel_loop3A_388 = arith.constant 16 : i32
        %parallel_loop3A_389 = arith.muli %parallel_loop3A_387, %parallel_loop3A_388 : i32
        %parallel_loop3A_390 = arith.index_cast %parallel_loop3A_371 : i32 to index
        %parallel_loop3A_391 = arith.index_cast %parallel_loop3A_389 : i32 to index
        %parallel_loop3A_392 = tpu.vector_load %arg10[%parallel_loop3A_390, %parallel_loop3A_391] {strides = array<i32>} : memref<4x128xi32, #tpu.memory_space<vmem>>, vector<16xi32>,
        %parallel_loop3A_393 = arith.index_cast %parallel_loop3A_371 : i32 to index
        %parallel_loop3A_394 = arith.index_cast %parallel_loop3A_389 : i32 to index
        %parallel_loop3A_395 = tpu.vector_load %arg11[%parallel_loop3A_393, %parallel_loop3A_394] {strides = array<i32>} : memref<4x128xi32, #tpu.memory_space<vmem>>, vector<16xi32>,
        %parallel_loop3A_396 = arith.constant 16 : i32
        %parallel_loop3A_397 = arith.muli %parallel_loop3A_347, %parallel_loop3A_396 : i32
        %parallel_loop3A_398 = vector.broadcast %parallel_loop3A_397 : i32 to vector<16xi32>
        %parallel_loop3A_399 = arith.addi %parallel_loop3A_398, %iota3A : vector<16xi32>
        %parallel_loop3A_400 = arith.constant 0 : i32
        %parallel_loop3A_401 = vector.broadcast %parallel_loop3A_400 : i32 to vector<16xi32>
        %parallel_loop3A_402 = tpu.vector_load_idx %arg14[%parallel_loop3A_392, %parallel_loop3A_401] : memref<400x5xf32, #tpu.memory_space<vmem>>[vector<16xi32>, vector<16xi32>], vector<16xf32>,
        %parallel_loop3A_403 = arith.constant 50 : i32
        %parallel_loop3A_404 = vector.broadcast %parallel_loop3A_403 : i32 to vector<16xi32>
        %parallel_loop3A_405 = arith.constant 0 : i32
        %parallel_loop3A_406 = arith.constant 0 : i32
        %parallel_loop3A_407 = arith.constant 0 : i32
        %parallel_loop3A_408 = tpu.memref_slice %arg13[%parallel_loop3A_405, %parallel_loop3A_406, %parallel_loop3A_407] : memref<2x512x60xf32, #tpu.memory_space<vmem>> -> memref<1x512x60xf32, #tpu.memory_space<vmem>>
        %parallel_loop3A_409 = tpu.memref_squeeze %parallel_loop3A_408 : memref<1x512x60xf32, #tpu.memory_space<vmem>> -> memref<512x60xf32, #tpu.memory_space<vmem>>
        tpu.vector_store_idx %parallel_loop3A_409[%parallel_loop3A_399, %parallel_loop3A_404], %parallel_loop3A_402 : memref<512x60xf32, #tpu.memory_space<vmem>>[vector<16xi32>, vector<16xi32>], vector<16xf32>,
        %parallel_loop3A_410 = tpu.vector_load_idx %arg15[%parallel_loop3A_395, %parallel_loop3A_401] : memref<400x5xf32, #tpu.memory_space<vmem>>[vector<16xi32>, vector<16xi32>], vector<16xf32>,
        %parallel_loop3A_411 = arith.constant 55 : i32
        %parallel_loop3A_412 = vector.broadcast %parallel_loop3A_411 : i32 to vector<16xi32>
        %parallel_loop3A_413 = arith.constant 0 : i32
        %parallel_loop3A_414 = arith.constant 0 : i32
        %parallel_loop3A_415 = arith.constant 0 : i32
        %parallel_loop3A_416 = tpu.memref_slice %arg13[%parallel_loop3A_413, %parallel_loop3A_414, %parallel_loop3A_415] : memref<2x512x60xf32, #tpu.memory_space<vmem>> -> memref<1x512x60xf32, #tpu.memory_space<vmem>>
        %parallel_loop3A_417 = tpu.memref_squeeze %parallel_loop3A_416 : memref<1x512x60xf32, #tpu.memory_space<vmem>> -> memref<512x60xf32, #tpu.memory_space<vmem>>
        tpu.vector_store_idx %parallel_loop3A_417[%parallel_loop3A_399, %parallel_loop3A_412], %parallel_loop3A_410 : memref<512x60xf32, #tpu.memory_space<vmem>>[vector<16xi32>, vector<16xi32>], vector<16xf32>,
        %parallel_loop3A_418 = arith.constant 1 : i32
        %parallel_loop3A_419 = vector.broadcast %parallel_loop3A_418 : i32 to vector<16xi32>
        %parallel_loop3A_420 = tpu.vector_load_idx %arg14[%parallel_loop3A_392, %parallel_loop3A_419] : memref<400x5xf32, #tpu.memory_space<vmem>>[vector<16xi32>, vector<16xi32>], vector<16xf32>,
        %parallel_loop3A_421 = arith.constant 51 : i32
        %parallel_loop3A_422 = vector.broadcast %parallel_loop3A_421 : i32 to vector<16xi32>
        %parallel_loop3A_423 = arith.constant 0 : i32
        %parallel_loop3A_424 = arith.constant 0 : i32
        %parallel_loop3A_425 = arith.constant 0 : i32
        %parallel_loop3A_426 = tpu.memref_slice %arg13[%parallel_loop3A_423, %parallel_loop3A_424, %parallel_loop3A_425] : memref<2x512x60xf32, #tpu.memory_space<vmem>> -> memref<1x512x60xf32, #tpu.memory_space<vmem>>
        %parallel_loop3A_427 = tpu.memref_squeeze %parallel_loop3A_426 : memref<1x512x60xf32, #tpu.memory_space<vmem>> -> memref<512x60xf32, #tpu.memory_space<vmem>>
        tpu.vector_store_idx %parallel_loop3A_427[%parallel_loop3A_399, %parallel_loop3A_422], %parallel_loop3A_420 : memref<512x60xf32, #tpu.memory_space<vmem>>[vector<16xi32>, vector<16xi32>], vector<16xf32>,
        %parallel_loop3A_428 = tpu.vector_load_idx %arg15[%parallel_loop3A_395, %parallel_loop3A_419] : memref<400x5xf32, #tpu.memory_space<vmem>>[vector<16xi32>, vector<16xi32>], vector<16xf32>,
        %parallel_loop3A_429 = arith.constant 56 : i32
        %parallel_loop3A_430 = vector.broadcast %parallel_loop3A_429 : i32 to vector<16xi32>
        %parallel_loop3A_431 = arith.constant 0 : i32
        %parallel_loop3A_432 = arith.constant 0 : i32
        %parallel_loop3A_433 = arith.constant 0 : i32
        %parallel_loop3A_434 = tpu.memref_slice %arg13[%parallel_loop3A_431, %parallel_loop3A_432, %parallel_loop3A_433] : memref<2x512x60xf32, #tpu.memory_space<vmem>> -> memref<1x512x60xf32, #tpu.memory_space<vmem>>
        %parallel_loop3A_435 = tpu.memref_squeeze %parallel_loop3A_434 : memref<1x512x60xf32, #tpu.memory_space<vmem>> -> memref<512x60xf32, #tpu.memory_space<vmem>>
        tpu.vector_store_idx %parallel_loop3A_435[%parallel_loop3A_399, %parallel_loop3A_430], %parallel_loop3A_428 : memref<512x60xf32, #tpu.memory_space<vmem>>[vector<16xi32>, vector<16xi32>], vector<16xf32>,
        %parallel_loop3A_436 = arith.constant 2 : i32
        %parallel_loop3A_437 = vector.broadcast %parallel_loop3A_436 : i32 to vector<16xi32>
        %parallel_loop3A_438 = tpu.vector_load_idx %arg14[%parallel_loop3A_392, %parallel_loop3A_437] : memref<400x5xf32, #tpu.memory_space<vmem>>[vector<16xi32>, vector<16xi32>], vector<16xf32>,
        %parallel_loop3A_439 = arith.constant 52 : i32
        %parallel_loop3A_440 = vector.broadcast %parallel_loop3A_439 : i32 to vector<16xi32>
        %parallel_loop3A_441 = arith.constant 0 : i32
        %parallel_loop3A_442 = arith.constant 0 : i32
        %parallel_loop3A_443 = arith.constant 0 : i32
        %parallel_loop3A_444 = tpu.memref_slice %arg13[%parallel_loop3A_441, %parallel_loop3A_442, %parallel_loop3A_443] : memref<2x512x60xf32, #tpu.memory_space<vmem>> -> memref<1x512x60xf32, #tpu.memory_space<vmem>>
        %parallel_loop3A_445 = tpu.memref_squeeze %parallel_loop3A_444 : memref<1x512x60xf32, #tpu.memory_space<vmem>> -> memref<512x60xf32, #tpu.memory_space<vmem>>
        tpu.vector_store_idx %parallel_loop3A_445[%parallel_loop3A_399, %parallel_loop3A_440], %parallel_loop3A_438 : memref<512x60xf32, #tpu.memory_space<vmem>>[vector<16xi32>, vector<16xi32>], vector<16xf32>,
        %parallel_loop3A_446 = tpu.vector_load_idx %arg15[%parallel_loop3A_395, %parallel_loop3A_437] : memref<400x5xf32, #tpu.memory_space<vmem>>[vector<16xi32>, vector<16xi32>], vector<16xf32>,
        %parallel_loop3A_447 = arith.constant 57 : i32
        %parallel_loop3A_448 = vector.broadcast %parallel_loop3A_447 : i32 to vector<16xi32>
        %parallel_loop3A_449 = arith.constant 0 : i32
        %parallel_loop3A_450 = arith.constant 0 : i32
        %parallel_loop3A_451 = arith.constant 0 : i32
        %parallel_loop3A_452 = tpu.memref_slice %arg13[%parallel_loop3A_449, %parallel_loop3A_450, %parallel_loop3A_451] : memref<2x512x60xf32, #tpu.memory_space<vmem>> -> memref<1x512x60xf32, #tpu.memory_space<vmem>>
        %parallel_loop3A_453 = tpu.memref_squeeze %parallel_loop3A_452 : memref<1x512x60xf32, #tpu.memory_space<vmem>> -> memref<512x60xf32, #tpu.memory_space<vmem>>
        tpu.vector_store_idx %parallel_loop3A_453[%parallel_loop3A_399, %parallel_loop3A_448], %parallel_loop3A_446 : memref<512x60xf32, #tpu.memory_space<vmem>>[vector<16xi32>, vector<16xi32>], vector<16xf32>,
        %parallel_loop3A_454 = arith.constant 3 : i32
        %parallel_loop3A_455 = vector.broadcast %parallel_loop3A_454 : i32 to vector<16xi32>
        %parallel_loop3A_456 = tpu.vector_load_idx %arg14[%parallel_loop3A_392, %parallel_loop3A_455] : memref<400x5xf32, #tpu.memory_space<vmem>>[vector<16xi32>, vector<16xi32>], vector<16xf32>,
        %parallel_loop3A_457 = arith.constant 53 : i32
        %parallel_loop3A_458 = vector.broadcast %parallel_loop3A_457 : i32 to vector<16xi32>
        %parallel_loop3A_459 = arith.constant 0 : i32
        %parallel_loop3A_460 = arith.constant 0 : i32
        %parallel_loop3A_461 = arith.constant 0 : i32
        %parallel_loop3A_462 = tpu.memref_slice %arg13[%parallel_loop3A_459, %parallel_loop3A_460, %parallel_loop3A_461] : memref<2x512x60xf32, #tpu.memory_space<vmem>> -> memref<1x512x60xf32, #tpu.memory_space<vmem>>
        %parallel_loop3A_463 = tpu.memref_squeeze %parallel_loop3A_462 : memref<1x512x60xf32, #tpu.memory_space<vmem>> -> memref<512x60xf32, #tpu.memory_space<vmem>>
        tpu.vector_store_idx %parallel_loop3A_463[%parallel_loop3A_399, %parallel_loop3A_458], %parallel_loop3A_456 : memref<512x60xf32, #tpu.memory_space<vmem>>[vector<16xi32>, vector<16xi32>], vector<16xf32>,
        %parallel_loop3A_464 = tpu.vector_load_idx %arg15[%parallel_loop3A_395, %parallel_loop3A_455] : memref<400x5xf32, #tpu.memory_space<vmem>>[vector<16xi32>, vector<16xi32>], vector<16xf32>,
        %parallel_loop3A_465 = arith.constant 58 : i32
        %parallel_loop3A_466 = vector.broadcast %parallel_loop3A_465 : i32 to vector<16xi32>
        %parallel_loop3A_467 = arith.constant 0 : i32
        %parallel_loop3A_468 = arith.constant 0 : i32
        %parallel_loop3A_469 = arith.constant 0 : i32
        %parallel_loop3A_470 = tpu.memref_slice %arg13[%parallel_loop3A_467, %parallel_loop3A_468, %parallel_loop3A_469] : memref<2x512x60xf32, #tpu.memory_space<vmem>> -> memref<1x512x60xf32, #tpu.memory_space<vmem>>
        %parallel_loop3A_471 = tpu.memref_squeeze %parallel_loop3A_470 : memref<1x512x60xf32, #tpu.memory_space<vmem>> -> memref<512x60xf32, #tpu.memory_space<vmem>>
        tpu.vector_store_idx %parallel_loop3A_471[%parallel_loop3A_399, %parallel_loop3A_466], %parallel_loop3A_464 : memref<512x60xf32, #tpu.memory_space<vmem>>[vector<16xi32>, vector<16xi32>], vector<16xf32>,
        %parallel_loop3A_472 = arith.constant 4 : i32
        %parallel_loop3A_473 = vector.broadcast %parallel_loop3A_472 : i32 to vector<16xi32>
        %parallel_loop3A_474 = tpu.vector_load_idx %arg14[%parallel_loop3A_392, %parallel_loop3A_473] : memref<400x5xf32, #tpu.memory_space<vmem>>[vector<16xi32>, vector<16xi32>], vector<16xf32>,
        %parallel_loop3A_475 = arith.constant 54 : i32
        %parallel_loop3A_476 = vector.broadcast %parallel_loop3A_475 : i32 to vector<16xi32>
        %parallel_loop3A_477 = arith.constant 0 : i32
        %parallel_loop3A_478 = arith.constant 0 : i32
        %parallel_loop3A_479 = arith.constant 0 : i32
        %parallel_loop3A_480 = tpu.memref_slice %arg13[%parallel_loop3A_477, %parallel_loop3A_478, %parallel_loop3A_479] : memref<2x512x60xf32, #tpu.memory_space<vmem>> -> memref<1x512x60xf32, #tpu.memory_space<vmem>>
        %parallel_loop3A_481 = tpu.memref_squeeze %parallel_loop3A_480 : memref<1x512x60xf32, #tpu.memory_space<vmem>> -> memref<512x60xf32, #tpu.memory_space<vmem>>
        tpu.vector_store_idx %parallel_loop3A_481[%parallel_loop3A_399, %parallel_loop3A_476], %parallel_loop3A_474 : memref<512x60xf32, #tpu.memory_space<vmem>>[vector<16xi32>, vector<16xi32>], vector<16xf32>,
        %parallel_loop3A_482 = tpu.vector_load_idx %arg15[%parallel_loop3A_395, %parallel_loop3A_473] : memref<400x5xf32, #tpu.memory_space<vmem>>[vector<16xi32>, vector<16xi32>], vector<16xf32>,
        %parallel_loop3A_483 = arith.constant 59 : i32
        %parallel_loop3A_484 = vector.broadcast %parallel_loop3A_483 : i32 to vector<16xi32>
        %parallel_loop3A_485 = arith.constant 0 : i32
        %parallel_loop3A_486 = arith.constant 0 : i32
        %parallel_loop3A_487 = arith.constant 0 : i32
        %parallel_loop3A_488 = tpu.memref_slice %arg13[%parallel_loop3A_485, %parallel_loop3A_486, %parallel_loop3A_487] : memref<2x512x60xf32, #tpu.memory_space<vmem>> -> memref<1x512x60xf32, #tpu.memory_space<vmem>>
        %parallel_loop3A_489 = tpu.memref_squeeze %parallel_loop3A_488 : memref<1x512x60xf32, #tpu.memory_space<vmem>> -> memref<512x60xf32, #tpu.memory_space<vmem>>
        tpu.vector_store_idx %parallel_loop3A_489[%parallel_loop3A_399, %parallel_loop3A_484], %parallel_loop3A_482 : memref<512x60xf32, #tpu.memory_space<vmem>>[vector<16xi32>, vector<16xi32>], vector<16xf32>,
      } {sc.loop_unroll_factor = 2 : i64, sc.parallel_access}
      %dma_start3A_260 = arith.constant 0 : i32
      %dma_start3A_261 = arith.constant 0 : i32
      %dma_start3A_262 = arith.constant 0 : i32
      %dma_start3A_263 = tpu.memref_slice %arg13[%dma_start3A_260, %dma_start3A_261, %dma_start3A_262] : memref<2x512x60xf32, #tpu.memory_space<vmem>> -> memref<1x512x60xf32, #tpu.memory_space<vmem>>
      %dma_start3A_264 = tpu.memref_squeeze %dma_start3A_263 : memref<1x512x60xf32, #tpu.memory_space<vmem>> -> memref<512x60xf32, #tpu.memory_space<vmem>>
      %dma_start3A_265 = arith.constant 0 : i32
      %dma_start3A_266 = tpu.memref_slice %arg8[%multiple_of3A_229, %dma_start3A_265] : memref<819200x60xf32, #tpu.memory_space<hbm>> -> memref<512x60xf32, #tpu.memory_space<hbm>>
      %dma_start3A_267 = arith.constant 0 : i32
      %dma_start3A_268 = tpu.memref_slice %arg8[%multiple_of3A_229, %dma_start3A_267] : memref<819200x60xf32, #tpu.memory_space<hbm>> -> memref<512x60xf32, #tpu.memory_space<hbm>>
      %dma_start3A_269 = arith.constant 0 : i32
      %dma_start3A_270 = arith.constant 0 : i32
      %dma_start3A_271 = tpu.memref_slice %arg13[%dma_start3A_260, %dma_start3A_269, %dma_start3A_270] : memref<2x512x60xf32, #tpu.memory_space<vmem>> -> memref<1x512x60xf32, #tpu.memory_space<vmem>>
      %dma_start3A_272 = tpu.memref_squeeze %dma_start3A_271 : memref<1x512x60xf32, #tpu.memory_space<vmem>> -> memref<512x60xf32, #tpu.memory_space<vmem>>
      tpu.enqueue_dma source(%dma_start3A_272 : memref<512x60xf32, #tpu.memory_space<vmem>>) target(%dma_start3A_268 : memref<512x60xf32, #tpu.memory_space<hbm>>) target_semaphore(%arg18 : memref<!tpu.dma_semaphore, #tpu.memory_space<semaphore_mem>>)
      %dma_wait3A_273 = arith.constant 1 : i32
      %dma_wait3A_274 = arith.constant 0 : i32
      %dma_wait3A_275 = arith.constant 0 : i32
      %dma_wait3A_276 = tpu.memref_slice %arg12[%dma_wait3A_273, %dma_wait3A_274, %dma_wait3A_275] : memref<2x512x56xf32, #tpu.memory_space<vmem>> -> memref<1x512x56xf32, #tpu.memory_space<vmem>>
      %dma_wait3A_277 = tpu.memref_squeeze %dma_wait3A_276 : memref<1x512x56xf32, #tpu.memory_space<vmem>> -> memref<512x56xf32, #tpu.memory_space<vmem>>
      %dma_wait3A_278 = arith.constant 0 : i32
      %dma_wait3A_279 = arith.constant 0 : i32
      %dma_wait3A_280 = tpu.memref_slice %arg5[%dma_wait3A_278, %dma_wait3A_279] : memref<100000x56xf32, #tpu.memory_space<hbm>> -> memref<512x56xf32, #tpu.memory_space<hbm>>
      %dma_wait3A_281 = arith.constant 0 : i32
      %dma_wait3A_282 = arith.constant 0 : i32
      %dma_wait3A_283 = tpu.memref_slice %arg12[%dma_wait3A_273, %dma_wait3A_281, %dma_wait3A_282] : memref<2x512x56xf32, #tpu.memory_space<vmem>> -> memref<1x512x56xf32, #tpu.memory_space<vmem>>
      %dma_wait3A_284 = tpu.memref_squeeze %dma_wait3A_283 : memref<1x512x56xf32, #tpu.memory_space<vmem>> -> memref<512x56xf32, #tpu.memory_space<vmem>>
      %dma_wait3A_285 = arith.constant 0 : i32
      %dma_wait3A_286 = arith.constant 0 : i32
      %dma_wait3A_287 = tpu.memref_slice %arg5[%dma_wait3A_285, %dma_wait3A_286] : memref<100000x56xf32, #tpu.memory_space<hbm>> -> memref<512x56xf32, #tpu.memory_space<hbm>>
      tpu.wait_dma2 semaphore(%arg17 : memref<!tpu.dma_semaphore, #tpu.memory_space<semaphore_mem>>) src(%dma_wait3A_287 : memref<512x56xf32, #tpu.memory_space<hbm>>) dst(%dma_wait3A_284 : memref<512x56xf32, #tpu.memory_space<vmem>>)
      %lt3A = arith.constant 24 : i32
      %lt3A_288 = arith.cmpi slt, %scan3A_115, %lt3A : i32
      %convert_element_type3A_289 = arith.extui %lt3A_288 : i1 to i32
      %cond3A_290 = arith.constant 0 : i32
      %cond3A_291 = arith.cmpi ne, %convert_element_type3A_289, %cond3A_290 : i32
      scf.if %cond3A_291 {
        %add3A_347 = arith.constant 2 : i32
        %add3A_348 = arith.addi %mul3A_117, %add3A_347 : i32
        %mul3A_349 = arith.constant 512 : i32
        %mul3A_350 = arith.muli %add3A_348, %mul3A_349 : i32
        %add3A_351 = arith.addi %mul3A_2, %mul3A_350 : i32
        %multiple_of3A_352 = tpu.assume_multiple %add3A_351, 512 : i32
        %jit3A_353 = arith.constant 128 : i32
        %div3A_354 = arith.divsi %multiple_of3A_352, %jit3A_353 : i32
        %sign3A_355 = arith.constant 0 : i32
        %sign3A_356 = arith.cmpi sgt, %multiple_of3A_352, %sign3A_355 : i32
        %sign3A_357 = arith.extui %sign3A_356 : i1 to i32
        %sign3A_358 = arith.constant 0 : i32
        %sign3A_359 = arith.cmpi slt, %multiple_of3A_352, %sign3A_358 : i32
        %sign3A_360 = arith.extui %sign3A_359 : i1 to i32
        %sign3A_361 = arith.subi %sign3A_357, %sign3A_360 : i32
        %sign3A_362 = arith.constant 0 : i32
        %sign3A_363 = arith.cmpi sgt, %jit3A_353, %sign3A_362 : i32
        %sign3A_364 = arith.extui %sign3A_363 : i1 to i32
        %sign3A_365 = arith.constant 0 : i32
        %sign3A_366 = arith.cmpi slt, %jit3A_353, %sign3A_365 : i32
        %sign3A_367 = arith.extui %sign3A_366 : i1 to i32
        %sign3A_368 = arith.subi %sign3A_364, %sign3A_367 : i32
        %ne3A_369 = arith.cmpi ne, %sign3A_361, %sign3A_368 : i32
        %rem3A_370 = arith.remsi %multiple_of3A_352, %jit3A_353 : i32
        %ne3A_371 = arith.constant 0 : i32
        %ne3A_372 = arith.cmpi ne, %rem3A_370, %ne3A_371 : i32
        %and3A_373 = arith.andi %ne3A_369, %ne3A_372 : i1
        %sub3A_374 = arith.constant 1 : i32
        %sub3A_375 = arith.subi %div3A_354, %sub3A_374 : i32
        %select_n3A_376 = arith.select %and3A_373, %sub3A_375, %div3A_354 : i32
        %multiple_of3A_377 = tpu.assume_multiple %select_n3A_376, 4 : i32
        "tpu.region"() ({
          %run_scoped3A = tpu.sem_alloc : memref<!tpu.dma_semaphore, #tpu.memory_space<semaphore_mem>>
          %dma_start3A_438 = arith.constant 0 : i32
          %dma_start3A_439 = tpu.memref_slice %arg2[%multiple_of3A_377, %dma_start3A_438] : memref<6400x128xi32, #tpu.memory_space<hbm>> -> memref<4x128xi32, #tpu.memory_space<hbm>>
          %dma_start3A_440 = arith.constant 0 : i32
          %dma_start3A_441 = tpu.memref_slice %arg2[%multiple_of3A_377, %dma_start3A_440] : memref<6400x128xi32, #tpu.memory_space<hbm>> -> memref<4x128xi32, #tpu.memory_space<hbm>>
          tpu.enqueue_dma source(%dma_start3A_441 : memref<4x128xi32, #tpu.memory_space<hbm>>) target(%arg9 : memref<4x128xi32, #tpu.memory_space<vmem>>) target_semaphore(%run_scoped3A : memref<!tpu.dma_semaphore, #tpu.memory_space<semaphore_mem>>)
          %dma_wait3A_442 = arith.constant 0 : i32
          %dma_wait3A_443 = tpu.memref_slice %arg2[%multiple_of3A_377, %dma_wait3A_442] : memref<6400x128xi32, #tpu.memory_space<hbm>> -> memref<4x128xi32, #tpu.memory_space<hbm>>
          %dma_wait3A_444 = arith.constant 0 : i32
          %dma_wait3A_445 = tpu.memref_slice %arg2[%multiple_of3A_377, %dma_wait3A_444] : memref<6400x128xi32, #tpu.memory_space<hbm>> -> memref<4x128xi32, #tpu.memory_space<hbm>>
          tpu.wait_dma2 semaphore(%run_scoped3A : memref<!tpu.dma_semaphore, #tpu.memory_space<semaphore_mem>>) src(%dma_wait3A_445 : memref<4x128xi32, #tpu.memory_space<hbm>>) dst(%arg9 : memref<4x128xi32, #tpu.memory_space<vmem>>)
          tpu.yield
        }) : () -> ()
        %dma_start3A_378 = arith.constant 0 : i32
        %dma_start3A_379 = arith.constant 0 : i32
        %dma_start3A_380 = arith.constant 0 : i32
        %dma_start3A_381 = arith.constant 0 : i32
        %dma_start3A_382 = tpu.memref_slice %arg12[%dma_start3A_379, %dma_start3A_380, %dma_start3A_381] : memref<2x512x56xf32, #tpu.memory_space<vmem>> -> memref<1x512x56xf32, #tpu.memory_space<vmem>>
        %dma_start3A_383 = tpu.memref_squeeze %dma_start3A_382 : memref<1x512x56xf32, #tpu.memory_space<vmem>> -> memref<512x56xf32, #tpu.memory_space<vmem>>
        %dma_start3A_384 = arith.constant 0 : i32
        %dma_start3A_385 = arith.constant 0 : i32
        %dma_start3A_386 = tpu.memref_slice %dma_start3A_383[%dma_start3A_384, %dma_start3A_385] : memref<512x56xf32, #tpu.memory_space<vmem>> -> memref<128x56xf32, #tpu.memory_space<vmem>>
        %dma_start3A_387 = arith.constant 0 : i32
        %dma_start3A_388 = tpu.memref_slice %arg9[%dma_start3A_378, %dma_start3A_387] : memref<4x128xi32, #tpu.memory_space<vmem>> -> memref<1x128xi32, #tpu.memory_space<vmem>>
        %dma_start3A_389 = tpu.memref_squeeze %dma_start3A_388 : memref<1x128xi32, #tpu.memory_space<vmem>> -> memref<128xi32, #tpu.memory_space<vmem>>
        %dma_start3A_390 = arith.constant 0 : i32
        %dma_start3A_391 = arith.constant 0 : i32
        %dma_start3A_392 = tpu.memref_slice %arg5[%dma_start3A_390, %dma_start3A_391] : memref<100000x56xf32, #tpu.memory_space<hbm>> -> memref<100000x56xf32, #tpu.memory_space<hbm>>
        tpu.enqueue_indirect_dma source(%dma_start3A_392 : memref<100000x56xf32, #tpu.memory_space<hbm>>) target(%dma_start3A_386 : memref<128x56xf32, #tpu.memory_space<vmem>>) offsets(%dma_start3A_389 : memref<128xi32, #tpu.memory_space<vmem>>) semaphore(%arg16 : memref<!tpu.dma_semaphore, #tpu.memory_space<semaphore_mem>>)
        %dma_start3A_393 = arith.constant 1 : i32
        %dma_start3A_394 = arith.constant 0 : i32
        %dma_start3A_395 = arith.constant 0 : i32
        %dma_start3A_396 = arith.constant 0 : i32
        %dma_start3A_397 = tpu.memref_slice %arg12[%dma_start3A_394, %dma_start3A_395, %dma_start3A_396] : memref<2x512x56xf32, #tpu.memory_space<vmem>> -> memref<1x512x56xf32, #tpu.memory_space<vmem>>
        %dma_start3A_398 = tpu.memref_squeeze %dma_start3A_397 : memref<1x512x56xf32, #tpu.memory_space<vmem>> -> memref<512x56xf32, #tpu.memory_space<vmem>>
        %dma_start3A_399 = arith.constant 128 : i32
        %dma_start3A_400 = arith.constant 0 : i32
        %dma_start3A_401 = tpu.memref_slice %dma_start3A_398[%dma_start3A_399, %dma_start3A_400] : memref<512x56xf32, #tpu.memory_space<vmem>> -> memref<128x56xf32, #tpu.memory_space<vmem>>
        %dma_start3A_402 = arith.constant 0 : i32
        %dma_start3A_403 = tpu.memref_slice %arg9[%dma_start3A_393, %dma_start3A_402] : memref<4x128xi32, #tpu.memory_space<vmem>> -> memref<1x128xi32, #tpu.memory_space<vmem>>
        %dma_start3A_404 = tpu.memref_squeeze %dma_start3A_403 : memref<1x128xi32, #tpu.memory_space<vmem>> -> memref<128xi32, #tpu.memory_space<vmem>>
        %dma_start3A_405 = arith.constant 0 : i32
        %dma_start3A_406 = arith.constant 0 : i32
        %dma_start3A_407 = tpu.memref_slice %arg5[%dma_start3A_405, %dma_start3A_406] : memref<100000x56xf32, #tpu.memory_space<hbm>> -> memref<100000x56xf32, #tpu.memory_space<hbm>>
        tpu.enqueue_indirect_dma source(%dma_start3A_407 : memref<100000x56xf32, #tpu.memory_space<hbm>>) target(%dma_start3A_401 : memref<128x56xf32, #tpu.memory_space<vmem>>) offsets(%dma_start3A_404 : memref<128xi32, #tpu.memory_space<vmem>>) semaphore(%arg16 : memref<!tpu.dma_semaphore, #tpu.memory_space<semaphore_mem>>)
        %dma_start3A_408 = arith.constant 2 : i32
        %dma_start3A_409 = arith.constant 0 : i32
        %dma_start3A_410 = arith.constant 0 : i32
        %dma_start3A_411 = arith.constant 0 : i32
        %dma_start3A_412 = tpu.memref_slice %arg12[%dma_start3A_409, %dma_start3A_410, %dma_start3A_411] : memref<2x512x56xf32, #tpu.memory_space<vmem>> -> memref<1x512x56xf32, #tpu.memory_space<vmem>>
        %dma_start3A_413 = tpu.memref_squeeze %dma_start3A_412 : memref<1x512x56xf32, #tpu.memory_space<vmem>> -> memref<512x56xf32, #tpu.memory_space<vmem>>
        %dma_start3A_414 = arith.constant 256 : i32
        %dma_start3A_415 = arith.constant 0 : i32
        %dma_start3A_416 = tpu.memref_slice %dma_start3A_413[%dma_start3A_414, %dma_start3A_415] : memref<512x56xf32, #tpu.memory_space<vmem>> -> memref<128x56xf32, #tpu.memory_space<vmem>>
        %dma_start3A_417 = arith.constant 0 : i32
        %dma_start3A_418 = tpu.memref_slice %arg9[%dma_start3A_408, %dma_start3A_417] : memref<4x128xi32, #tpu.memory_space<vmem>> -> memref<1x128xi32, #tpu.memory_space<vmem>>
        %dma_start3A_419 = tpu.memref_squeeze %dma_start3A_418 : memref<1x128xi32, #tpu.memory_space<vmem>> -> memref<128xi32, #tpu.memory_space<vmem>>
        %dma_start3A_420 = arith.constant 0 : i32
        %dma_start3A_421 = arith.constant 0 : i32
        %dma_start3A_422 = tpu.memref_slice %arg5[%dma_start3A_420, %dma_start3A_421] : memref<100000x56xf32, #tpu.memory_space<hbm>> -> memref<100000x56xf32, #tpu.memory_space<hbm>>
        tpu.enqueue_indirect_dma source(%dma_start3A_422 : memref<100000x56xf32, #tpu.memory_space<hbm>>) target(%dma_start3A_416 : memref<128x56xf32, #tpu.memory_space<vmem>>) offsets(%dma_start3A_419 : memref<128xi32, #tpu.memory_space<vmem>>) semaphore(%arg16 : memref<!tpu.dma_semaphore, #tpu.memory_space<semaphore_mem>>)
        %dma_start3A_423 = arith.constant 3 : i32
        %dma_start3A_424 = arith.constant 0 : i32
        %dma_start3A_425 = arith.constant 0 : i32
        %dma_start3A_426 = arith.constant 0 : i32
        %dma_start3A_427 = tpu.memref_slice %arg12[%dma_start3A_424, %dma_start3A_425, %dma_start3A_426] : memref<2x512x56xf32, #tpu.memory_space<vmem>> -> memref<1x512x56xf32, #tpu.memory_space<vmem>>
        %dma_start3A_428 = tpu.memref_squeeze %dma_start3A_427 : memref<1x512x56xf32, #tpu.memory_space<vmem>> -> memref<512x56xf32, #tpu.memory_space<vmem>>
        %dma_start3A_429 = arith.constant 384 : i32
        %dma_start3A_430 = arith.constant 0 : i32
        %dma_start3A_431 = tpu.memref_slice %dma_start3A_428[%dma_start3A_429, %dma_start3A_430] : memref<512x56xf32, #tpu.memory_space<vmem>> -> memref<128x56xf32, #tpu.memory_space<vmem>>
        %dma_start3A_432 = arith.constant 0 : i32
        %dma_start3A_433 = tpu.memref_slice %arg9[%dma_start3A_423, %dma_start3A_432] : memref<4x128xi32, #tpu.memory_space<vmem>> -> memref<1x128xi32, #tpu.memory_space<vmem>>
        %dma_start3A_434 = tpu.memref_squeeze %dma_start3A_433 : memref<1x128xi32, #tpu.memory_space<vmem>> -> memref<128xi32, #tpu.memory_space<vmem>>
        %dma_start3A_435 = arith.constant 0 : i32
        %dma_start3A_436 = arith.constant 0 : i32
        %dma_start3A_437 = tpu.memref_slice %arg5[%dma_start3A_435, %dma_start3A_436] : memref<100000x56xf32, #tpu.memory_space<hbm>> -> memref<100000x56xf32, #tpu.memory_space<hbm>>
        tpu.enqueue_indirect_dma source(%dma_start3A_437 : memref<100000x56xf32, #tpu.memory_space<hbm>>) target(%dma_start3A_431 : memref<128x56xf32, #tpu.memory_space<vmem>>) offsets(%dma_start3A_434 : memref<128xi32, #tpu.memory_space<vmem>>) semaphore(%arg16 : memref<!tpu.dma_semaphore, #tpu.memory_space<semaphore_mem>>)
      } else {
      }
      %gt3A_292 = arith.constant 0 : i32
      %gt3A_293 = arith.cmpi sgt, %scan3A_115, %gt3A_292 : i32
      %convert_element_type3A_294 = arith.extui %gt3A_293 : i1 to i32
      %cond3A_295 = arith.constant 0 : i32
      %cond3A_296 = arith.cmpi ne, %convert_element_type3A_294, %cond3A_295 : i32
      scf.if %cond3A_296 {
        %dma_wait3A_347 = arith.constant 1 : i32
        %dma_wait3A_348 = arith.constant 0 : i32
        %dma_wait3A_349 = arith.constant 0 : i32
        %dma_wait3A_350 = tpu.memref_slice %arg13[%dma_wait3A_347, %dma_wait3A_348, %dma_wait3A_349] : memref<2x512x60xf32, #tpu.memory_space<vmem>> -> memref<1x512x60xf32, #tpu.memory_space<vmem>>
        %dma_wait3A_351 = tpu.memref_squeeze %dma_wait3A_350 : memref<1x512x60xf32, #tpu.memory_space<vmem>> -> memref<512x60xf32, #tpu.memory_space<vmem>>
        %dma_wait3A_352 = arith.constant 0 : i32
        %dma_wait3A_353 = arith.constant 0 : i32
        %dma_wait3A_354 = tpu.memref_slice %arg8[%dma_wait3A_352, %dma_wait3A_353] : memref<819200x60xf32, #tpu.memory_space<hbm>> -> memref<512x60xf32, #tpu.memory_space<hbm>>
        %dma_wait3A_355 = arith.constant 0 : i32
        %dma_wait3A_356 = arith.constant 0 : i32
        %dma_wait3A_357 = tpu.memref_slice %arg8[%dma_wait3A_355, %dma_wait3A_356] : memref<819200x60xf32, #tpu.memory_space<hbm>> -> memref<512x60xf32, #tpu.memory_space<hbm>>
        %dma_wait3A_358 = arith.constant 0 : i32
        %dma_wait3A_359 = arith.constant 0 : i32
        %dma_wait3A_360 = tpu.memref_slice %arg13[%dma_wait3A_347, %dma_wait3A_358, %dma_wait3A_359] : memref<2x512x60xf32, #tpu.memory_space<vmem>> -> memref<1x512x60xf32, #tpu.memory_space<vmem>>
        %dma_wait3A_361 = tpu.memref_squeeze %dma_wait3A_360 : memref<1x512x60xf32, #tpu.memory_space<vmem>> -> memref<512x60xf32, #tpu.memory_space<vmem>>
        tpu.wait_dma2 semaphore(%arg18 : memref<!tpu.dma_semaphore, #tpu.memory_space<semaphore_mem>>) src(%dma_wait3A_361 : memref<512x60xf32, #tpu.memory_space<vmem>>) dst(%dma_wait3A_357 : memref<512x60xf32, #tpu.memory_space<hbm>>)
      } else {
      }
      %add3A_297 = arith.constant 1 : i32
      %add3A_298 = arith.addi %mul3A_117, %add3A_297 : i32
      %mul3A_299 = arith.constant 512 : i32
      %mul3A_300 = arith.muli %add3A_298, %mul3A_299 : i32
      %add3A_301 = arith.addi %mul3A_2, %mul3A_300 : i32
      %multiple_of3A_302 = tpu.assume_multiple %add3A_301, 512 : i32
      %jit3A_303 = arith.constant 128 : i32
      %div3A_304 = arith.divsi %multiple_of3A_302, %jit3A_303 : i32
      %sign3A_305 = arith.constant 0 : i32
      %sign3A_306 = arith.cmpi sgt, %multiple_of3A_302, %sign3A_305 : i32
      %sign3A_307 = arith.extui %sign3A_306 : i1 to i32
      %sign3A_308 = arith.constant 0 : i32
      %sign3A_309 = arith.cmpi slt, %multiple_of3A_302, %sign3A_308 : i32
      %sign3A_310 = arith.extui %sign3A_309 : i1 to i32
      %sign3A_311 = arith.subi %sign3A_307, %sign3A_310 : i32
      %sign3A_312 = arith.constant 0 : i32
      %sign3A_313 = arith.cmpi sgt, %jit3A_303, %sign3A_312 : i32
      %sign3A_314 = arith.extui %sign3A_313 : i1 to i32
      %sign3A_315 = arith.constant 0 : i32
      %sign3A_316 = arith.cmpi slt, %jit3A_303, %sign3A_315 : i32
      %sign3A_317 = arith.extui %sign3A_316 : i1 to i32
      %sign3A_318 = arith.subi %sign3A_314, %sign3A_317 : i32
      %ne3A_319 = arith.cmpi ne, %sign3A_311, %sign3A_318 : i32
      %rem3A_320 = arith.remsi %multiple_of3A_302, %jit3A_303 : i32
      %ne3A_321 = arith.constant 0 : i32
      %ne3A_322 = arith.cmpi ne, %rem3A_320, %ne3A_321 : i32
      %and3A_323 = arith.andi %ne3A_319, %ne3A_322 : i1
      %sub3A_324 = arith.constant 1 : i32
      %sub3A_325 = arith.subi %div3A_304, %sub3A_324 : i32
      %select_n3A_326 = arith.select %and3A_323, %sub3A_325, %div3A_304 : i32
      %multiple_of3A_327 = tpu.assume_multiple %select_n3A_326, 4 : i32
      "tpu.region"() ({
        %run_scoped3A = tpu.sem_alloc : memref<!tpu.dma_semaphore, #tpu.memory_space<semaphore_mem>>
        %dma_start3A_347 = arith.constant 0 : i32
        %dma_start3A_348 = tpu.memref_slice %arg3[%multiple_of3A_327, %dma_start3A_347] : memref<6400x128xi32, #tpu.memory_space<hbm>> -> memref<4x128xi32, #tpu.memory_space<hbm>>
        %dma_start3A_349 = arith.constant 0 : i32
        %dma_start3A_350 = tpu.memref_slice %arg3[%multiple_of3A_327, %dma_start3A_349] : memref<6400x128xi32, #tpu.memory_space<hbm>> -> memref<4x128xi32, #tpu.memory_space<hbm>>
        tpu.enqueue_dma source(%dma_start3A_350 : memref<4x128xi32, #tpu.memory_space<hbm>>) target(%arg10 : memref<4x128xi32, #tpu.memory_space<vmem>>) target_semaphore(%run_scoped3A : memref<!tpu.dma_semaphore, #tpu.memory_space<semaphore_mem>>)
        %dma_wait3A_351 = arith.constant 0 : i32
        %dma_wait3A_352 = tpu.memref_slice %arg3[%multiple_of3A_327, %dma_wait3A_351] : memref<6400x128xi32, #tpu.memory_space<hbm>> -> memref<4x128xi32, #tpu.memory_space<hbm>>
        %dma_wait3A_353 = arith.constant 0 : i32
        %dma_wait3A_354 = tpu.memref_slice %arg3[%multiple_of3A_327, %dma_wait3A_353] : memref<6400x128xi32, #tpu.memory_space<hbm>> -> memref<4x128xi32, #tpu.memory_space<hbm>>
        tpu.wait_dma2 semaphore(%run_scoped3A : memref<!tpu.dma_semaphore, #tpu.memory_space<semaphore_mem>>) src(%dma_wait3A_354 : memref<4x128xi32, #tpu.memory_space<hbm>>) dst(%arg10 : memref<4x128xi32, #tpu.memory_space<vmem>>)
        tpu.yield
      }) : () -> ()
      "tpu.region"() ({
        %run_scoped3A = tpu.sem_alloc : memref<!tpu.dma_semaphore, #tpu.memory_space<semaphore_mem>>
        %dma_start3A_347 = arith.constant 0 : i32
        %dma_start3A_348 = tpu.memref_slice %arg4[%multiple_of3A_327, %dma_start3A_347] : memref<6400x128xi32, #tpu.memory_space<hbm>> -> memref<4x128xi32, #tpu.memory_space<hbm>>
        %dma_start3A_349 = arith.constant 0 : i32
        %dma_start3A_350 = tpu.memref_slice %arg4[%multiple_of3A_327, %dma_start3A_349] : memref<6400x128xi32, #tpu.memory_space<hbm>> -> memref<4x128xi32, #tpu.memory_space<hbm>>
        tpu.enqueue_dma source(%dma_start3A_350 : memref<4x128xi32, #tpu.memory_space<hbm>>) target(%arg11 : memref<4x128xi32, #tpu.memory_space<vmem>>) target_semaphore(%run_scoped3A : memref<!tpu.dma_semaphore, #tpu.memory_space<semaphore_mem>>)
        %dma_wait3A_351 = arith.constant 0 : i32
        %dma_wait3A_352 = tpu.memref_slice %arg4[%multiple_of3A_327, %dma_wait3A_351] : memref<6400x128xi32, #tpu.memory_space<hbm>> -> memref<4x128xi32, #tpu.memory_space<hbm>>
        %dma_wait3A_353 = arith.constant 0 : i32
        %dma_wait3A_354 = tpu.memref_slice %arg4[%multiple_of3A_327, %dma_wait3A_353] : memref<6400x128xi32, #tpu.memory_space<hbm>> -> memref<4x128xi32, #tpu.memory_space<hbm>>
        tpu.wait_dma2 semaphore(%run_scoped3A : memref<!tpu.dma_semaphore, #tpu.memory_space<semaphore_mem>>) src(%dma_wait3A_354 : memref<4x128xi32, #tpu.memory_space<hbm>>) dst(%arg11 : memref<4x128xi32, #tpu.memory_space<vmem>>)
        tpu.yield
      }) : () -> ()
      %parallel_loop3A_328 = arith.constant 0 : i32
      %parallel_loop3A_329 = arith.constant 512 : i32
      %parallel_loop3A_330 = arith.constant 1 : i32
      scf.for %parallel_loop3A_347 = %parallel_loop3A_328 to %parallel_loop3A_329 step %parallel_loop3A_330  : i32 {
        %parallel_loop3A_348 = arith.constant 1 : i32
        %parallel_loop3A_349 = arith.index_cast %parallel_loop3A_348 : i32 to index
        %parallel_loop3A_350 = arith.index_cast %parallel_loop3A_347 : i32 to index
        %parallel_loop3A_351 = arith.constant 0 : index
        %parallel_loop3A_352 = tpu.vector_load %arg12[%parallel_loop3A_349, %parallel_loop3A_350, %parallel_loop3A_351] {strides = array<i32>} : memref<2x512x56xf32, #tpu.memory_space<vmem>>, vector<16xf32>,
        %parallel_loop3A_353 = arith.constant 1 : i32
        %parallel_loop3A_354 = arith.index_cast %parallel_loop3A_353 : i32 to index
        %parallel_loop3A_355 = arith.index_cast %parallel_loop3A_347 : i32 to index
        %parallel_loop3A_356 = arith.constant 0 : index
        %parallel_loop3A_357 = tpu.vector_load %arg13[%parallel_loop3A_354, %parallel_loop3A_355, %parallel_loop3A_356] {strides = array<i32>} : memref<2x512x60xf32, #tpu.memory_space<vmem>>, vector<16xf32>,
        tpu.vector_store %arg13[%parallel_loop3A_354, %parallel_loop3A_355, %parallel_loop3A_356], %parallel_loop3A_352 {strides = array<i32>} : memref<2x512x60xf32, #tpu.memory_space<vmem>>, vector<16xf32>,
        %parallel_loop3A_358 = arith.constant 1 : i32
        %parallel_loop3A_359 = arith.index_cast %parallel_loop3A_358 : i32 to index
        %parallel_loop3A_360 = arith.index_cast %parallel_loop3A_347 : i32 to index
        %parallel_loop3A_361 = arith.constant 16 : index
        %parallel_loop3A_362 = tpu.vector_load %arg12[%parallel_loop3A_359, %parallel_loop3A_360, %parallel_loop3A_361] {strides = array<i32>} : memref<2x512x56xf32, #tpu.memory_space<vmem>>, vector<16xf32>,
        %parallel_loop3A_363 = arith.constant 1 : i32
        %parallel_loop3A_364 = arith.index_cast %parallel_loop3A_363 : i32 to index
        %parallel_loop3A_365 = arith.index_cast %parallel_loop3A_347 : i32 to index
        %parallel_loop3A_366 = arith.constant 16 : index
        %parallel_loop3A_367 = tpu.vector_load %arg13[%parallel_loop3A_364, %parallel_loop3A_365, %parallel_loop3A_366] {strides = array<i32>} : memref<2x512x60xf32, #tpu.memory_space<vmem>>, vector<16xf32>,
        tpu.vector_store %arg13[%parallel_loop3A_364, %parallel_loop3A_365, %parallel_loop3A_366], %parallel_loop3A_362 {strides = array<i32>} : memref<2x512x60xf32, #tpu.memory_space<vmem>>, vector<16xf32>,
        %parallel_loop3A_368 = arith.constant 1 : i32
        %parallel_loop3A_369 = arith.index_cast %parallel_loop3A_368 : i32 to index
        %parallel_loop3A_370 = arith.index_cast %parallel_loop3A_347 : i32 to index
        %parallel_loop3A_371 = arith.constant 32 : index
        %parallel_loop3A_372 = tpu.vector_load %arg12[%parallel_loop3A_369, %parallel_loop3A_370, %parallel_loop3A_371] {strides = array<i32>} : memref<2x512x56xf32, #tpu.memory_space<vmem>>, vector<16xf32>,
        %parallel_loop3A_373 = arith.constant 1 : i32
        %parallel_loop3A_374 = arith.index_cast %parallel_loop3A_373 : i32 to index
        %parallel_loop3A_375 = arith.index_cast %parallel_loop3A_347 : i32 to index
        %parallel_loop3A_376 = arith.constant 32 : index
        %parallel_loop3A_377 = tpu.vector_load %arg13[%parallel_loop3A_374, %parallel_loop3A_375, %parallel_loop3A_376] {strides = array<i32>} : memref<2x512x60xf32, #tpu.memory_space<vmem>>, vector<16xf32>,
        tpu.vector_store %arg13[%parallel_loop3A_374, %parallel_loop3A_375, %parallel_loop3A_376], %parallel_loop3A_372 {strides = array<i32>} : memref<2x512x60xf32, #tpu.memory_space<vmem>>, vector<16xf32>,
        %parallel_loop3A_378 = arith.constant 1 : i32
        %parallel_loop3A_379 = arith.index_cast %parallel_loop3A_378 : i32 to index
        %parallel_loop3A_380 = arith.index_cast %parallel_loop3A_347 : i32 to index
        %parallel_loop3A_381 = arith.constant 40 : index
        %parallel_loop3A_382 = tpu.vector_load %arg12[%parallel_loop3A_379, %parallel_loop3A_380, %parallel_loop3A_381] {strides = array<i32>} : memref<2x512x56xf32, #tpu.memory_space<vmem>>, vector<16xf32>,
        %parallel_loop3A_383 = arith.constant 1 : i32
        %parallel_loop3A_384 = arith.index_cast %parallel_loop3A_383 : i32 to index
        %parallel_loop3A_385 = arith.index_cast %parallel_loop3A_347 : i32 to index
        %parallel_loop3A_386 = arith.constant 40 : index
        %parallel_loop3A_387 = tpu.vector_load %arg13[%parallel_loop3A_384, %parallel_loop3A_385, %parallel_loop3A_386] {strides = array<i32>} : memref<2x512x60xf32, #tpu.memory_space<vmem>>, vector<16xf32>,
        tpu.vector_store %arg13[%parallel_loop3A_384, %parallel_loop3A_385, %parallel_loop3A_386], %parallel_loop3A_382 {strides = array<i32>} : memref<2x512x60xf32, #tpu.memory_space<vmem>>, vector<16xf32>,
      } {sc.loop_unroll_factor = 4 : i64, sc.parallel_access}
      %parallel_loop3A_331 = arith.constant 0 : i32
      %parallel_loop3A_332 = arith.constant 32 : i32
      %parallel_loop3A_333 = arith.constant 1 : i32
      scf.for %parallel_loop3A_347 = %parallel_loop3A_331 to %parallel_loop3A_332 step %parallel_loop3A_333  : i32 {
        %parallel_loop3A_348 = arith.constant 8 : i32
        %parallel_loop3A_349 = arith.divsi %parallel_loop3A_347, %parallel_loop3A_348 : i32
        %parallel_loop3A_350 = arith.constant 0 : i32
        %parallel_loop3A_351 = arith.cmpi sgt, %parallel_loop3A_347, %parallel_loop3A_350 : i32
        %parallel_loop3A_352 = arith.extui %parallel_loop3A_351 : i1 to i32
        %parallel_loop3A_353 = arith.constant 0 : i32
        %parallel_loop3A_354 = arith.cmpi slt, %parallel_loop3A_347, %parallel_loop3A_353 : i32
        %parallel_loop3A_355 = arith.extui %parallel_loop3A_354 : i1 to i32
        %parallel_loop3A_356 = arith.subi %parallel_loop3A_352, %parallel_loop3A_355 : i32
        %parallel_loop3A_357 = arith.constant 0 : i32
        %parallel_loop3A_358 = arith.cmpi sgt, %parallel_loop3A_348, %parallel_loop3A_357 : i32
        %parallel_loop3A_359 = arith.extui %parallel_loop3A_358 : i1 to i32
        %parallel_loop3A_360 = arith.constant 0 : i32
        %parallel_loop3A_361 = arith.cmpi slt, %parallel_loop3A_348, %parallel_loop3A_360 : i32
        %parallel_loop3A_362 = arith.extui %parallel_loop3A_361 : i1 to i32
        %parallel_loop3A_363 = arith.subi %parallel_loop3A_359, %parallel_loop3A_362 : i32
        %parallel_loop3A_364 = arith.cmpi ne, %parallel_loop3A_356, %parallel_loop3A_363 : i32
        %parallel_loop3A_365 = arith.remsi %parallel_loop3A_347, %parallel_loop3A_348 : i32
        %parallel_loop3A_366 = arith.constant 0 : i32
        %parallel_loop3A_367 = arith.cmpi ne, %parallel_loop3A_365, %parallel_loop3A_366 : i32
        %parallel_loop3A_368 = arith.andi %parallel_loop3A_364, %parallel_loop3A_367 : i1
        %parallel_loop3A_369 = arith.constant 1 : i32
        %parallel_loop3A_370 = arith.subi %parallel_loop3A_349, %parallel_loop3A_369 : i32
        %parallel_loop3A_371 = arith.select %parallel_loop3A_368, %parallel_loop3A_370, %parallel_loop3A_349 : i32
        %parallel_loop3A_372 = arith.constant 8 : i32
        %parallel_loop3A_373 = arith.constant 0 : i32
        %parallel_loop3A_374 = arith.cmpi eq, %parallel_loop3A_372, %parallel_loop3A_373 : i32
        %parallel_loop3A_375 = arith.constant 1 : i32
        %parallel_loop3A_376 = arith.select %parallel_loop3A_374, %parallel_loop3A_375, %parallel_loop3A_372 : i32
        %parallel_loop3A_377 = arith.remsi %parallel_loop3A_347, %parallel_loop3A_376 : i32
        %parallel_loop3A_378 = arith.constant 0 : i32
        %parallel_loop3A_379 = arith.cmpi ne, %parallel_loop3A_377, %parallel_loop3A_378 : i32
        %parallel_loop3A_380 = arith.constant 0 : i32
        %parallel_loop3A_381 = arith.cmpi slt, %parallel_loop3A_377, %parallel_loop3A_380 : i32
        %parallel_loop3A_382 = arith.constant 0 : i32
        %parallel_loop3A_383 = arith.cmpi slt, %parallel_loop3A_376, %parallel_loop3A_382 : i32
        %parallel_loop3A_384 = arith.xori %parallel_loop3A_381, %parallel_loop3A_383 : i1
        %parallel_loop3A_385 = arith.andi %parallel_loop3A_384, %parallel_loop3A_379 : i1
        %parallel_loop3A_386 = arith.addi %parallel_loop3A_377, %parallel_loop3A_376 : i32
        %parallel_loop3A_387 = arith.select %parallel_loop3A_385, %parallel_loop3A_386, %parallel_loop3A_377 : i32
        %parallel_loop3A_388 = arith.constant 16 : i32
        %parallel_loop3A_389 = arith.muli %parallel_loop3A_387, %parallel_loop3A_388 : i32
        %parallel_loop3A_390 = arith.index_cast %parallel_loop3A_371 : i32 to index
        %parallel_loop3A_391 = arith.index_cast %parallel_loop3A_389 : i32 to index
        %parallel_loop3A_392 = tpu.vector_load %arg10[%parallel_loop3A_390, %parallel_loop3A_391] {strides = array<i32>} : memref<4x128xi32, #tpu.memory_space<vmem>>, vector<16xi32>,
        %parallel_loop3A_393 = arith.index_cast %parallel_loop3A_371 : i32 to index
        %parallel_loop3A_394 = arith.index_cast %parallel_loop3A_389 : i32 to index
        %parallel_loop3A_395 = tpu.vector_load %arg11[%parallel_loop3A_393, %parallel_loop3A_394] {strides = array<i32>} : memref<4x128xi32, #tpu.memory_space<vmem>>, vector<16xi32>,
        %parallel_loop3A_396 = arith.constant 16 : i32
        %parallel_loop3A_397 = arith.muli %parallel_loop3A_347, %parallel_loop3A_396 : i32
        %parallel_loop3A_398 = vector.broadcast %parallel_loop3A_397 : i32 to vector<16xi32>
        %parallel_loop3A_399 = arith.addi %parallel_loop3A_398, %iota3A : vector<16xi32>
        %parallel_loop3A_400 = arith.constant 0 : i32
        %parallel_loop3A_401 = vector.broadcast %parallel_loop3A_400 : i32 to vector<16xi32>
        %parallel_loop3A_402 = tpu.vector_load_idx %arg14[%parallel_loop3A_392, %parallel_loop3A_401] : memref<400x5xf32, #tpu.memory_space<vmem>>[vector<16xi32>, vector<16xi32>], vector<16xf32>,
        %parallel_loop3A_403 = arith.constant 50 : i32
        %parallel_loop3A_404 = vector.broadcast %parallel_loop3A_403 : i32 to vector<16xi32>
        %parallel_loop3A_405 = arith.constant 1 : i32
        %parallel_loop3A_406 = arith.constant 0 : i32
        %parallel_loop3A_407 = arith.constant 0 : i32
        %parallel_loop3A_408 = tpu.memref_slice %arg13[%parallel_loop3A_405, %parallel_loop3A_406, %parallel_loop3A_407] : memref<2x512x60xf32, #tpu.memory_space<vmem>> -> memref<1x512x60xf32, #tpu.memory_space<vmem>>
        %parallel_loop3A_409 = tpu.memref_squeeze %parallel_loop3A_408 : memref<1x512x60xf32, #tpu.memory_space<vmem>> -> memref<512x60xf32, #tpu.memory_space<vmem>>
        tpu.vector_store_idx %parallel_loop3A_409[%parallel_loop3A_399, %parallel_loop3A_404], %parallel_loop3A_402 : memref<512x60xf32, #tpu.memory_space<vmem>>[vector<16xi32>, vector<16xi32>], vector<16xf32>,
        %parallel_loop3A_410 = tpu.vector_load_idx %arg15[%parallel_loop3A_395, %parallel_loop3A_401] : memref<400x5xf32, #tpu.memory_space<vmem>>[vector<16xi32>, vector<16xi32>], vector<16xf32>,
        %parallel_loop3A_411 = arith.constant 55 : i32
        %parallel_loop3A_412 = vector.broadcast %parallel_loop3A_411 : i32 to vector<16xi32>
        %parallel_loop3A_413 = arith.constant 1 : i32
        %parallel_loop3A_414 = arith.constant 0 : i32
        %parallel_loop3A_415 = arith.constant 0 : i32
        %parallel_loop3A_416 = tpu.memref_slice %arg13[%parallel_loop3A_413, %parallel_loop3A_414, %parallel_loop3A_415] : memref<2x512x60xf32, #tpu.memory_space<vmem>> -> memref<1x512x60xf32, #tpu.memory_space<vmem>>
        %parallel_loop3A_417 = tpu.memref_squeeze %parallel_loop3A_416 : memref<1x512x60xf32, #tpu.memory_space<vmem>> -> memref<512x60xf32, #tpu.memory_space<vmem>>
        tpu.vector_store_idx %parallel_loop3A_417[%parallel_loop3A_399, %parallel_loop3A_412], %parallel_loop3A_410 : memref<512x60xf32, #tpu.memory_space<vmem>>[vector<16xi32>, vector<16xi32>], vector<16xf32>,
        %parallel_loop3A_418 = arith.constant 1 : i32
        %parallel_loop3A_419 = vector.broadcast %parallel_loop3A_418 : i32 to vector<16xi32>
        %parallel_loop3A_420 = tpu.vector_load_idx %arg14[%parallel_loop3A_392, %parallel_loop3A_419] : memref<400x5xf32, #tpu.memory_space<vmem>>[vector<16xi32>, vector<16xi32>], vector<16xf32>,
        %parallel_loop3A_421 = arith.constant 51 : i32
        %parallel_loop3A_422 = vector.broadcast %parallel_loop3A_421 : i32 to vector<16xi32>
        %parallel_loop3A_423 = arith.constant 1 : i32
        %parallel_loop3A_424 = arith.constant 0 : i32
        %parallel_loop3A_425 = arith.constant 0 : i32
        %parallel_loop3A_426 = tpu.memref_slice %arg13[%parallel_loop3A_423, %parallel_loop3A_424, %parallel_loop3A_425] : memref<2x512x60xf32, #tpu.memory_space<vmem>> -> memref<1x512x60xf32, #tpu.memory_space<vmem>>
        %parallel_loop3A_427 = tpu.memref_squeeze %parallel_loop3A_426 : memref<1x512x60xf32, #tpu.memory_space<vmem>> -> memref<512x60xf32, #tpu.memory_space<vmem>>
        tpu.vector_store_idx %parallel_loop3A_427[%parallel_loop3A_399, %parallel_loop3A_422], %parallel_loop3A_420 : memref<512x60xf32, #tpu.memory_space<vmem>>[vector<16xi32>, vector<16xi32>], vector<16xf32>,
        %parallel_loop3A_428 = tpu.vector_load_idx %arg15[%parallel_loop3A_395, %parallel_loop3A_419] : memref<400x5xf32, #tpu.memory_space<vmem>>[vector<16xi32>, vector<16xi32>], vector<16xf32>,
        %parallel_loop3A_429 = arith.constant 56 : i32
        %parallel_loop3A_430 = vector.broadcast %parallel_loop3A_429 : i32 to vector<16xi32>
        %parallel_loop3A_431 = arith.constant 1 : i32
        %parallel_loop3A_432 = arith.constant 0 : i32
        %parallel_loop3A_433 = arith.constant 0 : i32
        %parallel_loop3A_434 = tpu.memref_slice %arg13[%parallel_loop3A_431, %parallel_loop3A_432, %parallel_loop3A_433] : memref<2x512x60xf32, #tpu.memory_space<vmem>> -> memref<1x512x60xf32, #tpu.memory_space<vmem>>
        %parallel_loop3A_435 = tpu.memref_squeeze %parallel_loop3A_434 : memref<1x512x60xf32, #tpu.memory_space<vmem>> -> memref<512x60xf32, #tpu.memory_space<vmem>>
        tpu.vector_store_idx %parallel_loop3A_435[%parallel_loop3A_399, %parallel_loop3A_430], %parallel_loop3A_428 : memref<512x60xf32, #tpu.memory_space<vmem>>[vector<16xi32>, vector<16xi32>], vector<16xf32>,
        %parallel_loop3A_436 = arith.constant 2 : i32
        %parallel_loop3A_437 = vector.broadcast %parallel_loop3A_436 : i32 to vector<16xi32>
        %parallel_loop3A_438 = tpu.vector_load_idx %arg14[%parallel_loop3A_392, %parallel_loop3A_437] : memref<400x5xf32, #tpu.memory_space<vmem>>[vector<16xi32>, vector<16xi32>], vector<16xf32>,
        %parallel_loop3A_439 = arith.constant 52 : i32
        %parallel_loop3A_440 = vector.broadcast %parallel_loop3A_439 : i32 to vector<16xi32>
        %parallel_loop3A_441 = arith.constant 1 : i32
        %parallel_loop3A_442 = arith.constant 0 : i32
        %parallel_loop3A_443 = arith.constant 0 : i32
        %parallel_loop3A_444 = tpu.memref_slice %arg13[%parallel_loop3A_441, %parallel_loop3A_442, %parallel_loop3A_443] : memref<2x512x60xf32, #tpu.memory_space<vmem>> -> memref<1x512x60xf32, #tpu.memory_space<vmem>>
        %parallel_loop3A_445 = tpu.memref_squeeze %parallel_loop3A_444 : memref<1x512x60xf32, #tpu.memory_space<vmem>> -> memref<512x60xf32, #tpu.memory_space<vmem>>
        tpu.vector_store_idx %parallel_loop3A_445[%parallel_loop3A_399, %parallel_loop3A_440], %parallel_loop3A_438 : memref<512x60xf32, #tpu.memory_space<vmem>>[vector<16xi32>, vector<16xi32>], vector<16xf32>,
        %parallel_loop3A_446 = tpu.vector_load_idx %arg15[%parallel_loop3A_395, %parallel_loop3A_437] : memref<400x5xf32, #tpu.memory_space<vmem>>[vector<16xi32>, vector<16xi32>], vector<16xf32>,
        %parallel_loop3A_447 = arith.constant 57 : i32
        %parallel_loop3A_448 = vector.broadcast %parallel_loop3A_447 : i32 to vector<16xi32>
        %parallel_loop3A_449 = arith.constant 1 : i32
        %parallel_loop3A_450 = arith.constant 0 : i32
        %parallel_loop3A_451 = arith.constant 0 : i32
        %parallel_loop3A_452 = tpu.memref_slice %arg13[%parallel_loop3A_449, %parallel_loop3A_450, %parallel_loop3A_451] : memref<2x512x60xf32, #tpu.memory_space<vmem>> -> memref<1x512x60xf32, #tpu.memory_space<vmem>>
        %parallel_loop3A_453 = tpu.memref_squeeze %parallel_loop3A_452 : memref<1x512x60xf32, #tpu.memory_space<vmem>> -> memref<512x60xf32, #tpu.memory_space<vmem>>
        tpu.vector_store_idx %parallel_loop3A_453[%parallel_loop3A_399, %parallel_loop3A_448], %parallel_loop3A_446 : memref<512x60xf32, #tpu.memory_space<vmem>>[vector<16xi32>, vector<16xi32>], vector<16xf32>,
        %parallel_loop3A_454 = arith.constant 3 : i32
        %parallel_loop3A_455 = vector.broadcast %parallel_loop3A_454 : i32 to vector<16xi32>
        %parallel_loop3A_456 = tpu.vector_load_idx %arg14[%parallel_loop3A_392, %parallel_loop3A_455] : memref<400x5xf32, #tpu.memory_space<vmem>>[vector<16xi32>, vector<16xi32>], vector<16xf32>,
        %parallel_loop3A_457 = arith.constant 53 : i32
        %parallel_loop3A_458 = vector.broadcast %parallel_loop3A_457 : i32 to vector<16xi32>
        %parallel_loop3A_459 = arith.constant 1 : i32
        %parallel_loop3A_460 = arith.constant 0 : i32
        %parallel_loop3A_461 = arith.constant 0 : i32
        %parallel_loop3A_462 = tpu.memref_slice %arg13[%parallel_loop3A_459, %parallel_loop3A_460, %parallel_loop3A_461] : memref<2x512x60xf32, #tpu.memory_space<vmem>> -> memref<1x512x60xf32, #tpu.memory_space<vmem>>
        %parallel_loop3A_463 = tpu.memref_squeeze %parallel_loop3A_462 : memref<1x512x60xf32, #tpu.memory_space<vmem>> -> memref<512x60xf32, #tpu.memory_space<vmem>>
        tpu.vector_store_idx %parallel_loop3A_463[%parallel_loop3A_399, %parallel_loop3A_458], %parallel_loop3A_456 : memref<512x60xf32, #tpu.memory_space<vmem>>[vector<16xi32>, vector<16xi32>], vector<16xf32>,
        %parallel_loop3A_464 = tpu.vector_load_idx %arg15[%parallel_loop3A_395, %parallel_loop3A_455] : memref<400x5xf32, #tpu.memory_space<vmem>>[vector<16xi32>, vector<16xi32>], vector<16xf32>,
        %parallel_loop3A_465 = arith.constant 58 : i32
        %parallel_loop3A_466 = vector.broadcast %parallel_loop3A_465 : i32 to vector<16xi32>
        %parallel_loop3A_467 = arith.constant 1 : i32
        %parallel_loop3A_468 = arith.constant 0 : i32
        %parallel_loop3A_469 = arith.constant 0 : i32
        %parallel_loop3A_470 = tpu.memref_slice %arg13[%parallel_loop3A_467, %parallel_loop3A_468, %parallel_loop3A_469] : memref<2x512x60xf32, #tpu.memory_space<vmem>> -> memref<1x512x60xf32, #tpu.memory_space<vmem>>
        %parallel_loop3A_471 = tpu.memref_squeeze %parallel_loop3A_470 : memref<1x512x60xf32, #tpu.memory_space<vmem>> -> memref<512x60xf32, #tpu.memory_space<vmem>>
        tpu.vector_store_idx %parallel_loop3A_471[%parallel_loop3A_399, %parallel_loop3A_466], %parallel_loop3A_464 : memref<512x60xf32, #tpu.memory_space<vmem>>[vector<16xi32>, vector<16xi32>], vector<16xf32>,
        %parallel_loop3A_472 = arith.constant 4 : i32
        %parallel_loop3A_473 = vector.broadcast %parallel_loop3A_472 : i32 to vector<16xi32>
        %parallel_loop3A_474 = tpu.vector_load_idx %arg14[%parallel_loop3A_392, %parallel_loop3A_473] : memref<400x5xf32, #tpu.memory_space<vmem>>[vector<16xi32>, vector<16xi32>], vector<16xf32>,
        %parallel_loop3A_475 = arith.constant 54 : i32
        %parallel_loop3A_476 = vector.broadcast %parallel_loop3A_475 : i32 to vector<16xi32>
        %parallel_loop3A_477 = arith.constant 1 : i32
        %parallel_loop3A_478 = arith.constant 0 : i32
        %parallel_loop3A_479 = arith.constant 0 : i32
        %parallel_loop3A_480 = tpu.memref_slice %arg13[%parallel_loop3A_477, %parallel_loop3A_478, %parallel_loop3A_479] : memref<2x512x60xf32, #tpu.memory_space<vmem>> -> memref<1x512x60xf32, #tpu.memory_space<vmem>>
        %parallel_loop3A_481 = tpu.memref_squeeze %parallel_loop3A_480 : memref<1x512x60xf32, #tpu.memory_space<vmem>> -> memref<512x60xf32, #tpu.memory_space<vmem>>
        tpu.vector_store_idx %parallel_loop3A_481[%parallel_loop3A_399, %parallel_loop3A_476], %parallel_loop3A_474 : memref<512x60xf32, #tpu.memory_space<vmem>>[vector<16xi32>, vector<16xi32>], vector<16xf32>,
        %parallel_loop3A_482 = tpu.vector_load_idx %arg15[%parallel_loop3A_395, %parallel_loop3A_473] : memref<400x5xf32, #tpu.memory_space<vmem>>[vector<16xi32>, vector<16xi32>], vector<16xf32>,
        %parallel_loop3A_483 = arith.constant 59 : i32
        %parallel_loop3A_484 = vector.broadcast %parallel_loop3A_483 : i32 to vector<16xi32>
        %parallel_loop3A_485 = arith.constant 1 : i32
        %parallel_loop3A_486 = arith.constant 0 : i32
        %parallel_loop3A_487 = arith.constant 0 : i32
        %parallel_loop3A_488 = tpu.memref_slice %arg13[%parallel_loop3A_485, %parallel_loop3A_486, %parallel_loop3A_487] : memref<2x512x60xf32, #tpu.memory_space<vmem>> -> memref<1x512x60xf32, #tpu.memory_space<vmem>>
        %parallel_loop3A_489 = tpu.memref_squeeze %parallel_loop3A_488 : memref<1x512x60xf32, #tpu.memory_space<vmem>> -> memref<512x60xf32, #tpu.memory_space<vmem>>
        tpu.vector_store_idx %parallel_loop3A_489[%parallel_loop3A_399, %parallel_loop3A_484], %parallel_loop3A_482 : memref<512x60xf32, #tpu.memory_space<vmem>>[vector<16xi32>, vector<16xi32>], vector<16xf32>,
      } {sc.loop_unroll_factor = 2 : i64, sc.parallel_access}
      %dma_start3A_334 = arith.constant 1 : i32
      %dma_start3A_335 = arith.constant 0 : i32
      %dma_start3A_336 = arith.constant 0 : i32
      %dma_start3A_337 = tpu.memref_slice %arg13[%dma_start3A_334, %dma_start3A_335, %dma_start3A_336] : memref<2x512x60xf32, #tpu.memory_space<vmem>> -> memref<1x512x60xf32, #tpu.memory_space<vmem>>
      %dma_start3A_338 = tpu.memref_squeeze %dma_start3A_337 : memref<1x512x60xf32, #tpu.memory_space<vmem>> -> memref<512x60xf32, #tpu.memory_space<vmem>>
      %dma_start3A_339 = arith.constant 0 : i32
      %dma_start3A_340 = tpu.memref_slice %arg8[%multiple_of3A_302, %dma_start3A_339] : memref<819200x60xf32, #tpu.memory_space<hbm>> -> memref<512x60xf32, #tpu.memory_space<hbm>>
      %dma_start3A_341 = arith.constant 0 : i32
      %dma_start3A_342 = tpu.memref_slice %arg8[%multiple_of3A_302, %dma_start3A_341] : memref<819200x60xf32, #tpu.memory_space<hbm>> -> memref<512x60xf32, #tpu.memory_space<hbm>>
      %dma_start3A_343 = arith.constant 0 : i32
      %dma_start3A_344 = arith.constant 0 : i32
      %dma_start3A_345 = tpu.memref_slice %arg13[%dma_start3A_334, %dma_start3A_343, %dma_start3A_344] : memref<2x512x60xf32, #tpu.memory_space<vmem>> -> memref<1x512x60xf32, #tpu.memory_space<vmem>>
      %dma_start3A_346 = tpu.memref_squeeze %dma_start3A_345 : memref<1x512x60xf32, #tpu.memory_space<vmem>> -> memref<512x60xf32, #tpu.memory_space<vmem>>
      tpu.enqueue_dma source(%dma_start3A_346 : memref<512x60xf32, #tpu.memory_space<vmem>>) target(%dma_start3A_342 : memref<512x60xf32, #tpu.memory_space<hbm>>) target_semaphore(%arg18 : memref<!tpu.dma_semaphore, #tpu.memory_space<semaphore_mem>>)
    }
    %scan3A_85 = arith.constant 25 : i32
    %dma_wait3A = arith.constant 0 : i32
    %dma_wait3A_86 = arith.constant 0 : i32
    %dma_wait3A_87 = arith.constant 0 : i32
    %dma_wait3A_88 = tpu.memref_slice %arg13[%dma_wait3A, %dma_wait3A_86, %dma_wait3A_87] : memref<2x512x60xf32, #tpu.memory_space<vmem>> -> memref<1x512x60xf32, #tpu.memory_space<vmem>>
    %dma_wait3A_89 = tpu.memref_squeeze %dma_wait3A_88 : memref<1x512x60xf32, #tpu.memory_space<vmem>> -> memref<512x60xf32, #tpu.memory_space<vmem>>
    %dma_wait3A_90 = arith.constant 0 : i32
    %dma_wait3A_91 = arith.constant 0 : i32
    %dma_wait3A_92 = tpu.memref_slice %arg8[%dma_wait3A_90, %dma_wait3A_91] : memref<819200x60xf32, #tpu.memory_space<hbm>> -> memref<512x60xf32, #tpu.memory_space<hbm>>
    %dma_wait3A_93 = arith.constant 0 : i32
    %dma_wait3A_94 = arith.constant 0 : i32
    %dma_wait3A_95 = tpu.memref_slice %arg8[%dma_wait3A_93, %dma_wait3A_94] : memref<819200x60xf32, #tpu.memory_space<hbm>> -> memref<512x60xf32, #tpu.memory_space<hbm>>
    %dma_wait3A_96 = arith.constant 0 : i32
    %dma_wait3A_97 = arith.constant 0 : i32
    %dma_wait3A_98 = tpu.memref_slice %arg13[%dma_wait3A, %dma_wait3A_96, %dma_wait3A_97] : memref<2x512x60xf32, #tpu.memory_space<vmem>> -> memref<1x512x60xf32, #tpu.memory_space<vmem>>
    %dma_wait3A_99 = tpu.memref_squeeze %dma_wait3A_98 : memref<1x512x60xf32, #tpu.memory_space<vmem>> -> memref<512x60xf32, #tpu.memory_space<vmem>>
    tpu.wait_dma2 semaphore(%arg18 : memref<!tpu.dma_semaphore, #tpu.memory_space<semaphore_mem>>) src(%dma_wait3A_99 : memref<512x60xf32, #tpu.memory_space<vmem>>) dst(%dma_wait3A_95 : memref<512x60xf32, #tpu.memory_space<hbm>>)
    %dma_wait3A_100 = arith.constant 1 : i32
    %dma_wait3A_101 = arith.constant 0 : i32
    %dma_wait3A_102 = arith.constant 0 : i32
    %dma_wait3A_103 = tpu.memref_slice %arg13[%dma_wait3A_100, %dma_wait3A_101, %dma_wait3A_102] : memref<2x512x60xf32, #tpu.memory_space<vmem>> -> memref<1x512x60xf32, #tpu.memory_space<vmem>>
    %dma_wait3A_104 = tpu.memref_squeeze %dma_wait3A_103 : memref<1x512x60xf32, #tpu.memory_space<vmem>> -> memref<512x60xf32, #tpu.memory_space<vmem>>
    %dma_wait3A_105 = arith.constant 0 : i32
    %dma_wait3A_106 = arith.constant 0 : i32
    %dma_wait3A_107 = tpu.memref_slice %arg8[%dma_wait3A_105, %dma_wait3A_106] : memref<819200x60xf32, #tpu.memory_space<hbm>> -> memref<512x60xf32, #tpu.memory_space<hbm>>
    %dma_wait3A_108 = arith.constant 0 : i32
    %dma_wait3A_109 = arith.constant 0 : i32
    %dma_wait3A_110 = tpu.memref_slice %arg8[%dma_wait3A_108, %dma_wait3A_109] : memref<819200x60xf32, #tpu.memory_space<hbm>> -> memref<512x60xf32, #tpu.memory_space<hbm>>
    %dma_wait3A_111 = arith.constant 0 : i32
    %dma_wait3A_112 = arith.constant 0 : i32
    %dma_wait3A_113 = tpu.memref_slice %arg13[%dma_wait3A_100, %dma_wait3A_111, %dma_wait3A_112] : memref<2x512x60xf32, #tpu.memory_space<vmem>> -> memref<1x512x60xf32, #tpu.memory_space<vmem>>
    %dma_wait3A_114 = tpu.memref_squeeze %dma_wait3A_113 : memref<1x512x60xf32, #tpu.memory_space<vmem>> -> memref<512x60xf32, #tpu.memory_space<vmem>>
    tpu.wait_dma2 semaphore(%arg18 : memref<!tpu.dma_semaphore, #tpu.memory_space<semaphore_mem>>) src(%dma_wait3A_114 : memref<512x60xf32, #tpu.memory_space<vmem>>) dst(%dma_wait3A_110 : memref<512x60xf32, #tpu.memory_space<hbm>>)
    return
  }
}

</mosaic_0001>

<sc_bundles>
// kernel: _run.3.cloned.1.call-start
scs
__scs_entry_jumppad:
0x0: {  	(pc) =	sbr.rel $0x88, $3  }
0x1: {  	(tag) =	ssettag $0x0;
	lr =	simm.s32 $0x1  }
0x2: {  	[smem:$0x3F9B] =	sst lr;
	_ =	strace $0xD0000000  }
0x3: {  	_ = 	snop  }
0x4: {  	_ = 	snop  }
0x5: {  	_ = 	snop  }
0x6: {  	_ = 	snop  }
0x7: {  	_ = 	snop  }
__scs_overlays_trampoline_lowered:
0x8: {  	[smem:$0x3FAA] =	sst s0  }
0x9: {  	[smem:$0x3FAB] =	sst s1  }
0xa: {  	[smem:$0x3FAC] =	sst s2  }
0xb: {  	[smem:$0x3FAD] =	sst s3  }
0xc: {  	[smem:$0x3FAE] =	sst s4  }
0xd: {  	[smem:$0x3FAF] =	sst s5  }
0xe: {  	[smem:$0x3FB0] =	sst s6  }
0xf: {  	[smem:$0x3FB1] =	sst s7  }
0x10: {  	[smem:$0x3FB2] =	sst s8  }
0x11: {  	[smem:$0x3FB3] =	sst s9;
	s0 =	simm.s32 @!p0 $0x0  }
0x12: {  	s1 =	sld [smem:$0x3F99];
	s0 =	simm.s32 @p0 $0x1  }
0x13: {  	[smem:$0x3FB4] =	sst s0;
	s0 =	simm.s32 @!p1 $0x0  }
0x14: {  	s2 =	sld [smem:$0x3F98];
	s0 =	simm.s32 @p1 $0x1  }
0x15: {  	[smem:$0x3FB5] =	sst s0;
	s0 =	simm.s32 @!p2 $0x0  }
0x16: {  	s3 =	sld [smem:$0x3FDB];
	s0 =	simm.s32 @p2 $0x1  }
0x17: {  	s4 =	simm.s32 $0x1BF5;
	[smem:$0x3FB7] =	sst s0  }
0x18: {  	s0 =	sld [smem:$0x3F9A];
	_ =	swait.ge [sflag:s4], $0x0  }
0x19: {  	s7 =	sld [smem:$0x3F9B]  }
0x1a: {  	s8 =	sadd.s32 $0xFFFFE003, lr  }
0x1b: {  	s9 =	sadd.s32 $0xFFFFFEF7, lr;
	s5 =	simm.s32 $0xFFFFFFFF;
	p2 =	slt.u32 s8, $0xFFFFF086  }
0x1c: {  	p1 =	slt.u32 s9, $0xF7A;
	s5 =	simm.s32 @!p2 $0x0  }
0x1d: {  	s5 =	simm.s32 @p1 $0x1;
	p0 =	seq.s32 s7, s2  }
0x1e: {  	s7 =	smul.u32 @!p0 $0xF7A, s2;
	p2 =	seq.s32 @!p0 s5, $0x0  }
0x1f: {  	s9 =	smul.u32 $0xF7A, s1;
	s8 =	simm.s32 @!p0 $0x1BF5;
	p2 =	por !p2, p0  }
0x20: {  	[sflag:s8] =	ssyncset.s32 @!p0 $0xFFFFF086;
	s6 =	sadd.s32 @!p0 s3, s7;
	s7 =	simm.s32 @!p0 $0x108  }
0x21: {  	s3 =	sadd.s32 s3, s9;
	s6 =	sadd.s32 @!p0 $0x88, s6;
	s7 =	simm.s32 @p2 $0x1082  }
0x22: {  	[simem:s7], [sflag:s8] =	dma.local @!p0 [hbm:s6], $0xF7A  }
0x23: {  	s9 =	sor.u32 $0xD0000000, s2;
	s6 =	simm.s32 $0x108;
	_ =	swait.ge @!p0 [sflag:s8], $0x0  }
0x24: {  	s3 =	sadd.s32 $0x88, s3;
	s6 =	simm.s32 @!p1 $0x1082;
	[sflag:s4] =	ssyncset.s32 $0xFFFFF086  }
0x25: {  	[simem:s6], [sflag:s4] =	dma.local [hbm:s3], $0xF7A  }
0x26: {  	[smem:$0x3F9B] =	sst s1;
	(tag) =	ssettag s2;
	_ =	strace s9  }
0x27: {  	s1 =	sld [smem:$0x3FAB]  }
0x28: {  	s2 =	sld [smem:$0x3FAC]  }
0x29: {  	s4 =	sld [smem:$0x3FAE]  }
0x2a: {  	p0 =	seq.s32 s5, $0x0;
	s5 =	sld [smem:$0x3FAF]  }
0x2b: {  	s6 =	sld [smem:$0x3FB0]  }
0x2c: {  	s7 =	sld [smem:$0x3FB1]  }
0x2d: {  	s3 =	simm.s32 $0x108;
	s8 =	sld [smem:$0x3FB2]  }
0x2e: {  	s3 =	simm.s32 @!p0 $0x1082;
	s9 =	sld [smem:$0x3FB3]  }
0x2f: {  	lr =	sadd.s32 s0, s3;
	s0 =	sld [smem:$0x3FAA]  }
0x30: {  	s3 =	sld [smem:$0x3FAD]  }
0x31: {  	[smem:$0x3FB6] =	sst s10  }
0x32: {  	s10 =	sld [smem:$0x3FB4];
	_ =	sdelay $0x3  }
0x33: {  	p0 =	seq.s32 s10, $0x1;
	s10 =	sld [smem:$0x3FB6];
	_ =	sdelay $0x3  }
0x34: {  	[smem:$0x3FB6] =	sst s10  }
0x35: {  	s10 =	sld [smem:$0x3FB5];
	_ =	sdelay $0x3  }
0x36: {  	p1 =	seq.s32 s10, $0x1;
	s10 =	sld [smem:$0x3FB6];
	_ =	sdelay $0x3  }
0x37: {  	[smem:$0x3FB6] =	sst s10  }
0x38: {  	s10 =	sld [smem:$0x3FB7]  }
0x39: {  	_ = 	snop;
	(pc) =	sbr.ind lr, $3  }
0x3a: {  	_ = 	snop  }
0x3b: {  	_ = 	snop  }
0x3c: {  	p2 =	seq.s32 s10, $0x1;
	s10 =	sld [smem:$0x3FB6]  }
0x3d: {  	_ =	shalt  }
0x3e: {  	_ =	shalt  }
0x3f: {  	_ =	shalt  }
0x40: {  	_ =	shalt  }
0x41: {  	_ =	shalt  }
0x42: {  	_ =	shalt  }
0x43: {  	_ =	shalt  }
0x44: {  	_ =	shalt  }
0x45: {  	_ =	shalt  }
0x46: {  	_ =	shalt  }
0x47: {  	_ =	shalt  }
0x48: {  	_ =	shalt  }
0x49: {  	_ =	shalt  }
0x4a: {  	_ =	shalt  }
0x4b: {  	_ =	shalt  }
0x4c: {  	_ =	shalt  }
0x4d: {  	_ =	shalt  }
0x4e: {  	_ =	shalt  }
0x4f: {  	_ =	shalt  }
0x50: {  	_ =	shalt  }
0x51: {  	_ =	shalt  }
0x52: {  	_ =	shalt  }
0x53: {  	_ =	shalt  }
0x54: {  	_ =	shalt  }
0x55: {  	_ =	shalt  }
0x56: {  	_ =	shalt  }
0x57: {  	_ =	shalt  }
0x58: {  	_ =	shalt  }
0x59: {  	_ =	shalt  }
0x5a: {  	_ =	shalt  }
0x5b: {  	_ =	shalt  }
0x5c: {  	_ =	shalt  }
0x5d: {  	_ =	shalt  }
0x5e: {  	_ =	shalt  }
0x5f: {  	_ =	shalt  }
0x60: {  	_ =	shalt  }
0x61: {  	_ =	shalt  }
0x62: {  	_ =	shalt  }
0x63: {  	_ =	shalt  }
0x64: {  	_ =	shalt  }
0x65: {  	_ =	shalt  }
0x66: {  	_ =	shalt  }
0x67: {  	_ =	shalt  }
0x68: {  	_ =	shalt  }
0x69: {  	_ =	shalt  }
0x6a: {  	_ =	shalt  }
0x6b: {  	_ =	shalt  }
0x6c: {  	_ =	shalt  }
0x6d: {  	_ =	shalt  }
0x6e: {  	_ =	shalt  }
0x6f: {  	_ =	shalt  }
0x70: {  	_ =	shalt  }
0x71: {  	_ =	shalt  }
0x72: {  	_ =	shalt  }
0x73: {  	_ =	shalt  }
0x74: {  	_ =	shalt  }
0x75: {  	_ =	shalt  }
0x76: {  	_ =	shalt  }
0x77: {  	_ =	shalt  }
0x78: {  	_ =	shalt  }
0x79: {  	_ =	shalt  }
0x7a: {  	_ =	shalt  }
0x7b: {  	_ =	shalt  }
0x7c: {  	_ =	shalt  }
0x7d: {  	_ =	shalt  }
0x7e: {  	_ =	shalt  }
0x7f: {  	_ =	shalt  }
0x80: {  	_ =	shalt  }
0x81: {  	_ =	shalt  }
0x82: {  	_ =	shalt  }
0x83: {  	_ =	shalt  }
0x84: {  	_ =	shalt  }
0x85: {  	_ =	shalt  }
0x86: {  	_ =	shalt  }
0x87: {  	_ =	shalt  }
.Lfunc_end0:
.L_simem_size_0:
called_computation.1_lowered:
.L_overlay_start_0:
0x88: {  	s2 =	sld [smem:$0x3FD9]  }
0x89: {  	s3 =	sld [smem:$0x3FFE];
	_ =	sdelay $0x1  }
0x8a: {  	s1 =	srdreg.scid  }
0x8b: {  	s0 =	sand.u32 $0x1, s1  }
0x8c: {  	s17 =	sshll.u32 s0, $0xA;
	s2 =	sadd.s32 s3, s2  }
0x8d: {  	s2 =	sadd.s32 s2, s17  }
0x8e: {  	[smem:$0x3FC2] =	sst s2  }
0x8f: {  	_ = 	snop  }
0x90: {  	s2 =	sld [smem:$0x3FD0];
	(tm) =	ssettm $0x1  }
0x91: {  	s18 =	sld [smem:$0x3FFB];
	_ =	sdelay $0x3  }
0x92: {  	_ =	strace s18  }
0x93: {  	s3 =	sld [smem:$0x3FFC];
	_ =	sdelay $0x3  }
0x94: {  	_ =	strace s3  }
0x95: {  	s3 =	sld [smem:$0x3FFD];
	_ =	sdelay $0x3  }
0x96: {  	_ =	strace s3  }
0x97: {  	_ =	strace $0x8FFFFFFF  }
0x98: {  	s19 =	sld [smem:$0x3FDB];
	_ =	sdelay $0x1  }
0x99: {  	s4 =	simm.s32 $_scs_section_size  }
0x9a: {  	s5 =	simm.s32 $_size__tile_overlayer_lowered;
	s6 =	simm.s32 $_tile_overlayer_lowered  }
0x9b: {  	s22 =	simm.s32 $0x1BFF;
	s21 =	sshll.u32 s6, $0x1;
	s3 =	sadd.s32 s4, s19  }
0x9c: {  	s7 =	simm.s32 $0x0;
	s20 =	sshll.u32 s5, $0x1;
	s5 =	sadd.s32 s21, s3  }
0x9d: {  	[timem:s7], [sflag:s22] =	dma.local [hbm:s5], s20  }
0x9e: {  	_ =	swait.ge [sflag:s22], s20  }
0x9f: {  	s4 =	ssub.s32 $0x0, s20;
	[sflag:s22] =	ssyncset.done $0x0  }
0xa0: {  	[sflag:s22] =	ssyncadd.s32 s4;
	_ =	sdelay $0x1  }
0xa1: {  	s23 =	simm.s32 $0x1B8B  }
0xa2: {  	_ =	swait.ge [sflag:s23], $0x1  }
0xa3: {  	[sflag:s23] =	ssyncset.done $0x0  }
0xa4: {  	s25 =	simm.s32 $0x1B8E;
	s24 =	sld [smem:$0x3FFE];
	[sflag:s23] =	ssyncadd.s32 $0xFFFFFFFF  }
0xa5: {  	s26 =	simm.s32 $execute0_lowered;
	[smem:$0x3FD2] =	sst s25  }
0xa6: {  	s5 =	sshll.u32 s26, $0x1;
	_ =	strace $0x80000046;
	[dreg:$0x1] =	wrdreg $0xFFFFFFFF  }
0xa7: {  	s28 =	simm.s32 $_size_execute0_lowered;
	s3 =	sadd.s32 s3, s5;
	[dreg:$0x0] =	wrdreg $0x0  }
0xa8: {  	s5 =	sshll.u32 s28, $0x1;
	[dreg:$0x2] =	wrdreg s3  }
0xa9: {  	[dreg:$0x3] =	wrdreg s5  }
0xaa: {  	[dreg:$0x4] =	wrdreg $0xC0  }
0xab: {  	_ =	task [dreg:s7], $0x5FFFF  }
0xac: {  	[dreg:$0x1] =	wrdreg $0xFFFFFFFF  }
0xad: {  	[dreg:$0x0] =	wrdreg $0x60  }
0xae: {  	[dreg:$0x2] =	wrdreg s24  }
0xaf: {  	[dreg:$0x3] =	wrdreg s2  }
0xb0: {  	[dreg:$0x4] =	wrdreg $0x9  }
0xb1: {  	_ =	task.clear_ibuf [dreg:s7], $0x5FFFF;
	_ =	strace $0x90000046  }
0xb2: {  	s29 =	simm.s32 $0x9;
	_ =	strace $0x80000048  }
0xb3: {  	_ =	swait.ge [sflag:s29], $0x1  }
0xb4: {  	[sflag:s29] =	ssyncadd.s32 $0xFFFFFFFF  }
0xb5: {  	_ =	strace $0x90000048  }
0xb6: {  	_ =	sfence  }
0xb7: {  	s30 =	sld [smem:$0x0];
	_ =	sdelay $0x2  }
0xb8: {  	s31 =	sshll.u32 s1, $0xD;
	s1 =	sshrl.u32 s1, $0x2  }
0xb9: {  	s3 =	sand.u32 $0x4000, s31;
	s1 =	sadd.s32 s1, s30  }
0xba: {  	s0 =	sor.u32 s3, s0;
	s1 =	sshll.u32 s1, $0x11  }
0xbb: {  	s0 =	sor.u32 s1, s0  }
0xbc: {  	s0 =	sadd.s32 $0x8F2B, s0  }
0xbd: {  	[sflag:s0] =	ssyncadd.remote.s32 $0x1  }
0xbe: {  	_ =	sfence.sel $0xFFFF  }
0xbf: {  	[dreg:$0x0] =	wrdreg $0xFFFFFFFF;
	(pc) =	sbr.abs _section_cstart, $3  }
0xc0: {  	[dreg:$0x1] =	wrdreg $0xFFFFFFFF  }
0xc1: {  	_ =	task.clear_ibuf [dreg:s7], $0x2FFFF;
	_ =	strace $0x9FFFFFFF  }
0xc2: {  	(tm) =	ssettm $0x7FFFFFFF  }
0xc3: {  	_ =	shalt  }
tec
execute0_lowered:
.L_overlay_start_1:
0x0: {  	(tag) =	ssettag $0x1  }
0x1: {  	s0 =	rddreg [dreg:$0x0]  }
0x2: {  	s2 =	rddreg [dreg:$0x1];
	s3 =	simm.s32 $0x0;
	s1 =	srdreg.scid  }
0x3: {  	s4 =	stileid.u32;
	s14 =	simm.s32 $0x1E600;
	s15 =	simm.s32 $0x4  }
0x4: {  	s16 =	simm.s32 $0x1F280;
	s17 =	simm.s32 $0x80;
	s20 =	simm.s32 $0x100  }
0x5: {  	s22 =	simm.s32 $0x180;
	s24 =	simm.s32 $0x1;
	s30 =	simm.s32 $0x200  }
0x6: {  	s31 =	simm.s32 $0x400;
	s18 =	simm.s32 $0x16600;
	s19 =	simm.s32 $0x3  }
0x7: {  	[smem:$0x7FF] =	sst s3;
	s1 =	sand.u32 $0x1, s1;
	s4 =	sshll.u32 s4, $0x1  }
0x8: {  	s5 =	sadd.s32 $0x1B800, s0;
	s7 =	sadd.s32 $0x34800, s0;
	s8 =	sadd.s32 $0x2400, s0  }
0x9: {  	s25 =	sadd.s32 $0x2600, s0;
	s10 =	sadd.s32 $0x4D800, s0;
	s6 =	sor.u32 s1, s4  }
0xa: {  	_ =	strace $0x80000047;
	s1 =	ssub.s32 $0x2, s1;
	s6 =	smul.u32 $0x6400, s6  }
.Ltmp0:
0xb: {  	[dreg:$0x3] =	wrdreg s8;
	s26 =	sshrl.u32 s1, $0x1;
	(pc) =	sbr.rel .LBB2_1-.Ltmp0, $4  }
0xc: {  	v0 =	vlaneseq.u32;
	s4 =	sadd.s32 $0x2800, s0;
	[dreg:$0x4] =	wrdreg s25;
	s28 =	ssub.s32 s1, s26  }
0xd: {  	v0 =	vmul.u32 $0x40, v0;
	s1 =	simm.s32 $0x2;
	s9 =	sshrl.u32 s6, $0x3;
	s0 =	smax.u32 s28, $0x1  }
0xe: {  	s12 =	sadd.s32 $0x400, s6;
	s29 =	sadd.s32 s4, s9;
	[dreg:$0x6] =	wrdreg s0  }
0xf: {  	[tilespmem:$0x1FFF0] =	vst v0;
	s0 =	simm.s32 $0xE600;
	s9 =	simm.s32 $0x0;
	[dreg:$0x5] =	wrdreg s29  }
.LBB2_23:
0x10: {  	_ =	swait.ge [sflag:s19], $0x8000  }
0x11: {  	[sflag:s19] =	ssyncset.done $0x0  }
0x12: {  	[sflag:s19] =	ssyncadd.s32 $0xFFFF8000  }
0x13: {  	_ =	swait.ge [sflag:s19], $0x8000  }
0x14: {  	s9 =	rddreg [dreg:$0x7]  }
0x15: {  	s8 =	rddreg [dreg:$0x6];
	s9 =	sadd.s32 $0x1, s9  }
0x16: {  	p0 =	sne.s32 s9, s8  }
.Ltmp1:
0x17: {  	_ = 	snop;
	(pc) =	sbr.rel @!p0 .LBB2_24-.Ltmp1, $3  }
0x18: {  	_ =	sdelay $0x1  }
0x19: {  	[sflag:s19] =	ssyncset.done $0x0  }
0x1a: {  	[sflag:s19] =	ssyncadd.s32 $0xFFFF8000  }
.LBB2_1:
0x1b: {  	[dreg:$0x7] =	wrdreg s9  }
0x1c: {  	s8 =	rddreg [dreg:$0x3]  }
0x1d: {  	[tilespmem:s14], [sflag:$0x4] =	stream.linear.gather [hbm4b:s8+s3], $0xC80, $0x38;
	[tilespmem:$0x1FF00] =	vst v63  }
0x1e: {  	_ =	swait.ge [sflag:s15], $0xC80  }
0x1f: {  	[sflag:s15] =	ssyncset.done $0x0  }
0x20: {  	s21 =	rddreg [dreg:$0x4];
	[sflag:s15] =	ssyncadd.s32 $0xFFFFF380  }
0x21: {  	[tilespmem:s16], [sflag:$0x4] =	stream.linear.gather [hbm4b:s21+s3], $0xC80, $0x38;
	[tilespmem:$0x1FF00] =	vst v63  }
0x22: {  	_ =	swait.ge [sflag:s15], $0xC80  }
0x23: {  	[sflag:s15] =	ssyncset.done $0x0  }
0x24: {  	s23 =	rddreg [dreg:$0x5];
	[sflag:s15] =	ssyncadd.s32 $0xFFFFF380  }
0x25: {  	[tilespmem:s3], [sflag:$0x4] =	stream.linear.gather [hbm4b:s23+s3], $0x200, $0x38;
	[tilespmem:$0x1FF00] =	vst v63  }
0x26: {  	_ =	swait.ge [sflag:s15], $0x200  }
0x27: {  	[sflag:s15] =	ssyncset.done $0x0  }
0x28: {  	s25 =	simm.s32 $0x600;
	[sflag:s15] =	ssyncadd.s32 $0xFFFFFE00  }
0x29: {  	[tilespmem:s25], [sflag:$0x1] =	stream.indirect.gather [hbm4b:s2+s17], $0x38, s3, s17, $0xb8;
	[tilespmem:$0x1FF00] =	vst v63  }
0x2a: {  	s26 =	simm.s32 $0x2200  }
0x2b: {  	[tilespmem:s26], [sflag:$0x1] =	stream.indirect.gather [hbm4b:s2+s17], $0x38, s17, s17, $0xb8;
	[tilespmem:$0x1FF00] =	vst v63  }
0x2c: {  	s28 =	simm.s32 $0x3E00  }
0x2d: {  	[tilespmem:s28], [sflag:$0x1] =	stream.indirect.gather [hbm4b:s2+s17], $0x38, s20, s17, $0xb8;
	[tilespmem:$0x1FF00] =	vst v63  }
0x2e: {  	s29 =	simm.s32 $0x5A00;
	s23 =	simm.s32 $0x0  }
0x2f: {  	[tilespmem:s29], [sflag:$0x1] =	stream.indirect.gather [hbm4b:s2+s17], $0x38, s22, s17, $0xb8;
	[tilespmem:$0x1FF00] =	vst v63  }
.LBB2_2:
0x30: {  	s11 =	sshll.u32 s23, $0xA  }
0x31: {  	s8 =	sadd.s32 s11, s6  }
0x32: {  	_ =	swait.ge [sflag:s24], $0x7000;
	s8 =	sadd.s32 $0x200, s8  }
0x33: {  	[sflag:s24] =	ssyncset.done $0x0;
	s9 =	sshrl.u32 s8, $0x3  }
0x34: {  	[sflag:s24] =	ssyncadd.s32 $0xFFFF9000;
	s13 =	sadd.s32 s4, s9  }
0x35: {  	[tilespmem:s3], [sflag:$0x4] =	stream.linear.gather [hbm4b:s13+s3], $0x200, $0x38;
	[tilespmem:$0x1FF00] =	vst v63  }
0x36: {  	_ =	swait.ge [sflag:s15], $0x200  }
0x37: {  	[sflag:s15] =	ssyncset.done $0x0  }
0x38: {  	s25 =	simm.s32 $0x7600;
	[sflag:s15] =	ssyncadd.s32 $0xFFFFFE00  }
0x39: {  	[tilespmem:s25], [sflag:$0x2] =	stream.indirect.gather [hbm4b:s2+s17], $0x38, s3, s17, $0xb8;
	[tilespmem:$0x1FF00] =	vst v63  }
0x3a: {  	s26 =	simm.s32 $0x9200  }
0x3b: {  	[tilespmem:s26], [sflag:$0x2] =	stream.indirect.gather [hbm4b:s2+s17], $0x38, s17, s17, $0xb8;
	[tilespmem:$0x1FF00] =	vst v63  }
0x3c: {  	s21 =	simm.s32 $0xAE00;
	p0 =	seq.s32 s23, $0x0  }
0x3d: {  	[tilespmem:s21], [sflag:$0x2] =	stream.indirect.gather [hbm4b:s2+s17], $0x38, s20, s17, $0xb8;
	[tilespmem:$0x1FF00] =	vst v63  }
0x3e: {  	s25 =	simm.s32 $0xCA00;
	s21 =	simm.s32 @!p0 $0x3  }
0x3f: {  	[tilespmem:s25], [sflag:$0x2] =	stream.indirect.gather [hbm4b:s2+s17], $0x38, s22, s17, $0xb8;
	[tilespmem:$0x1FF00] =	vst v63  }
0x40: {  	s13 =	sadd.s32 s6, s11;
	_ =	swait.ge @!p0 [sflag:s21], $0x8000  }
0x41: {  	s25 =	sshrl.u32 s13, $0x3;
	[sflag:s21] =	ssyncset.done @!p0 $0x0  }
0x42: {  	s26 =	sadd.s32 s5, s25;
	[sflag:s21] =	ssyncadd.s32 @!p0 $0xFFFF8000  }
0x43: {  	[tilespmem:s30], [sflag:$0x4] =	stream.linear.gather [hbm4b:s26+s3], $0x200, $0x38;
	[tilespmem:$0x1FF00] =	vst v63  }
0x44: {  	_ =	swait.ge [sflag:s15], $0x200  }
0x45: {  	[sflag:s15] =	ssyncset.done $0x0  }
0x46: {  	s26 =	sadd.s32 s7, s25;
	[sflag:s15] =	ssyncadd.s32 $0xFFFFFE00  }
0x47: {  	[tilespmem:s31], [sflag:$0x4] =	stream.linear.gather [hbm4b:s26+s3], $0x200, $0x38;
	[tilespmem:$0x1FF00] =	vst v63  }
0x48: {  	_ =	swait.ge [sflag:s15], $0x200  }
0x49: {  	[sflag:s15] =	ssyncset.done $0x0  }
0x4a: {  	s28 =	simm.s32 $0x670;
	[sflag:s15] =	ssyncadd.s32 $0xFFFFFE00  }
0x4b: {  	v2 =	vld [tilespmem:s28+$0xFFFFFFC8]  }
0x4c: {  	v1 =	vld [tilespmem:s28+$0x38]  }
0x4d: {  	v3 =	vld [tilespmem:s28+$0x0];
	_ =	sdelay $0x1  }
0x4e: {  	s21 =	simm.s32 $0xE680  }
0x4f: {  	v4 =	vld [tilespmem:s28+$0xFFFFFF90];
	[tilespmem:s21+$0xFFFFFFC0] =	vst v2  }
0x50: {  	[tilespmem:s21+$0x40] =	vst v1;
	v2 =	vld [tilespmem:s28+$0xFFFFFFD8]  }
0x51: {  	[tilespmem:s21+$0x0] =	vst v3;
	v1 =	vld [tilespmem:s28+$0x48]  }
0x52: {  	v3 =	vld [tilespmem:s28+$0x10]  }
0x53: {  	s25 =	simm.s32 $0x750  }
0x54: {  	v5 =	vld [tilespmem:s25+$0x38];
	[tilespmem:s21+$0xFFFFFF80] =	vst v4  }
0x55: {  	v4 =	vld [tilespmem:s28+$0xFFFFFFA0];
	[tilespmem:s21+$0xFFFFFFD0] =	vst v2  }
0x56: {  	[tilespmem:s21+$0x50] =	vst v1;
	v2 =	vld [tilespmem:s28+$0xFFFFFFE8]  }
0x57: {  	[tilespmem:s21+$0x10] =	vst v3;
	v1 =	vld [tilespmem:s28+$0x58]  }
0x58: {  	s26 =	simm.s32 $0xE780;
	v3 =	vld [tilespmem:s28+$0x20]  }
0x59: {  	v6 =	vld [tilespmem:s25+$0xFFFFFFC8];
	[tilespmem:s26+$0x40] =	vst v5  }
0x5a: {  	v5 =	vld [tilespmem:s25+$0x48];
	[tilespmem:s21+$0xFFFFFF90] =	vst v4  }
0x5b: {  	[tilespmem:s21+$0xFFFFFFE0] =	vst v2;
	v2 =	vld [tilespmem:s25+$0x0]  }
0x5c: {  	v4 =	vld [tilespmem:s25+$0xFFFFFF90];
	[tilespmem:s21+$0x60] =	vst v1  }
0x5d: {  	[tilespmem:s21+$0x20] =	vst v3;
	v3 =	vld [tilespmem:s28+$0xFFFFFFB0]  }
0x5e: {  	[tilespmem:s26+$0xFFFFFFC0] =	vst v6;
	v1 =	vld [tilespmem:s28+$0x60]  }
0x5f: {  	v6 =	vld [tilespmem:s25+$0xFFFFFFD8];
	[tilespmem:s26+$0x50] =	vst v5  }
0x60: {  	[tilespmem:s26+$0x0] =	vst v2;
	v2 =	vld [tilespmem:s28+$0xFFFFFFF0]  }
0x61: {  	[tilespmem:s26+$0xFFFFFF80] =	vst v4;
	v7 =	vld [tilespmem:s25+$0x10]  }
0x62: {  	v8 =	vld [tilespmem:s25+$0xFFFFFFA0];
	[tilespmem:s21+$0xFFFFFFA0] =	vst v3  }
0x63: {  	[tilespmem:s21+$0x68] =	vst v1;
	v1 =	vld [tilespmem:s28+$0xFFFFFFB8]  }
0x64: {  	[tilespmem:s26+$0xFFFFFFD0] =	vst v6;
	v3 =	vld [tilespmem:s25+$0x58]  }
0x65: {  	v4 =	vld [tilespmem:s25+$0xFFFFFFE8];
	[tilespmem:s21+$0xFFFFFFE8] =	vst v2  }
0x66: {  	v2 =	vld [tilespmem:s28+$0x28];
	[tilespmem:s26+$0x10] =	vst v7  }
0x67: {  	s29 =	simm.s32 $0x830;
	[tilespmem:s26+$0xFFFFFF90] =	vst v8;
	s28 =	simm.s32 $0x4;
	v5 =	vld [tilespmem:s25+$0x20]  }
.LBB2_3:
0x68: {  	v6 =	vld [tilespmem:s29+$0x38];
	s28 =	sadd.s32 $0x4, s28;
	[tilespmem:s21+$0xFFFFFFA8] =	vst v1  }
0x69: {  	v1 =	vld [tilespmem:s29+$0xFFFFFFC8];
	p0 =	slt.u32 s28, $0x1FC;
	[tilespmem:s26+$0x60] =	vst v3  }
0x6a: {  	[tilespmem:s26+$0xFFFFFFE0] =	vst v4;
	v3 =	vld [tilespmem:s25+$0x60]  }
0x6b: {  	v4 =	vld [tilespmem:s29+$0x0];
	[tilespmem:s21+$0x28] =	vst v2;
	s21 =	smov.u32 s26  }
0x6c: {  	s26 =	sadd.s32 $0x100, s26;
	v2 =	vld [tilespmem:s29+$0xFFFFFF90];
	[tilespmem:s21+$0x20] =	vst v5  }
0x6d: {  	[tilespmem:s26+$0x40] =	vst v6;
	v5 =	vld [tilespmem:s25+$0xFFFFFFB0]  }
0x6e: {  	[tilespmem:s26+$0xFFFFFFC0] =	vst v1;
	v1 =	vld [tilespmem:s29+$0x48]  }
0x6f: {  	v6 =	vld [tilespmem:s29+$0xFFFFFFD8];
	[tilespmem:s21+$0x68] =	vst v3  }
0x70: {  	[tilespmem:s26+$0x0] =	vst v4;
	v7 =	vld [tilespmem:s25+$0xFFFFFFF0]  }
0x71: {  	[tilespmem:s26+$0xFFFFFF80] =	vst v2;
	v2 =	vld [tilespmem:s29+$0x10]  }
0x72: {  	v8 =	vld [tilespmem:s29+$0xFFFFFFA0];
	[tilespmem:s21+$0xFFFFFFA0] =	vst v5  }
.Ltmp2:
0x73: {  	[tilespmem:s26+$0x50] =	vst v1;
	v1 =	vld [tilespmem:s25+$0xFFFFFFB8];
	(pc) =	sbr.rel @p0 .LBB2_3-.Ltmp2, $4  }
0x74: {  	[tilespmem:s26+$0xFFFFFFD0] =	vst v6;
	v3 =	vld [tilespmem:s29+$0x58]  }
0x75: {  	v4 =	vld [tilespmem:s29+$0xFFFFFFE8];
	[tilespmem:s21+$0xFFFFFFE8] =	vst v7  }
0x76: {  	[tilespmem:s26+$0x10] =	vst v2;
	v2 =	vld [tilespmem:s25+$0x28];
	s25 =	smov.u32 s29  }
0x77: {  	s29 =	sadd.s32 $0xE0, s29;
	[tilespmem:s26+$0xFFFFFF90] =	vst v8;
	v5 =	vld [tilespmem:s25+$0x20]  }
0x78: {  	v6 =	vld [tilespmem:s25+$0xFFFFFFB0]  }
0x79: {  	[tilespmem:s21+$0xFFFFFFA8] =	vst v1  }
0x7a: {  	[tilespmem:s26+$0x60] =	vst v3  }
0x7b: {  	[tilespmem:s26+$0xFFFFFFE0] =	vst v4;
	v3 =	vld [tilespmem:s25+$0x60]  }
0x7c: {  	v4 =	vld [tilespmem:s25+$0xFFFFFFF0];
	[tilespmem:s26+$0x20] =	vst v5  }
0x7d: {  	[tilespmem:s26+$0xFFFFFFA0] =	vst v6;
	v1 =	vld [tilespmem:s25+$0x28]  }
0x7e: {  	v5 =	vld [tilespmem:s25+$0xFFFFFFB8]  }
0x7f: {  	[tilespmem:s21+$0x28] =	vst v2  }
0x80: {  	[tilespmem:s26+$0x68] =	vst v3  }
0x81: {  	[tilespmem:s26+$0xFFFFFFE8] =	vst v4  }
0x82: {  	[tilespmem:s26+$0x28] =	vst v1  }
0x83: {  	s25 =	simm.s32 $0x210;
	[tilespmem:s26+$0xFFFFFFA8] =	vst v5  }
0x84: {  	v1 =	vld [tilespmem:s25+$0x0]  }
0x85: {  	v2 =	vld [tilespmem:s25+$0xFFFFFFF0];
	_ =	sdelay $0x3  }
0x86: {  	s26 =	simm.s32 $0x410;
	v32 =	vshll.u32 v1, $0x3  }
0x87: {  	s28 =	simm.s32 $0x10;
	v1 =	vld [tilespmem:s26+$0x0];
	v3 =	vshll.u32 v2, $0x3  }
0x88: {  	s29 =	simm.s32 $0x0;
	v4 =	vmov s28;
	v2 =	vld [tilespmem:s26+$0xFFFFFFF0]  }
0x89: {  	v4 =	vshll.u32 v4, $0x6;
	v5 =	vmov s29  }
0x8a: {  	v4 =	vor.u32 v0, v4;
	v5 =	vshll.u32 v5, $0x6  }
0x8b: {  	v50 =	vor.u32 $0x37, v4;
	v12 =	vor.u32 v0, v5;
	v5 =	vor.u32 $0x32, v4;
	v7 =	vld.idx.msk [tilespmem:v32+s14+$0x0], $0xffff  }
0x8c: {  	v17 =	vor.u32 $0x32, v12;
	v24 =	vor.u32 $0x37, v12;
	v14 =	vld.idx.msk [tilespmem:v3+s14+$0x0], $0xffff;
	v22 =	vshll.u32 v1, $0x3  }
0x8d: {  	p2 =	por $0x1, $0x1;
	v9 =	vor.u32 $0x33, v12;
	v11 =	vor.u32 $0x38, v12;
	v1 =	vshll.u32 v2, $0x3  }
.Ltmp3:
0x8e: {  	v16 =	vor.u32 $0x34, v12;
	v8 =	vor.u32 $0x39, v12;
	v33 =	vor.u32 $0x35, v12;
	(pc) =	sbr.rel @!p2 .LBB2_5-.Ltmp3, $4  }
0x8f: {  	v10 =	vor.u32 $0x1, v3;
	v15 =	vor.u32 $0x2, v3;
	v58 =	vor.u32 $0x3, v3  }
0x90: {  	v51 =	vor.u32 $0x1, v32;
	v2 =	vor.u32 $0x3A, v12;
	v3 =	vor.u32 $0x4, v3;
	[tilespmem:v5+s0+$0x0] =	vst.idx.msk $0xffff, v7  }
0x91: {  	v6 =	vor.u32 $0x1, v1;
	v13 =	vor.u32 $0x2, v1;
	v59 =	vor.u32 $0x3, v1;
	[tilespmem:v17+s0+$0x0] =	vst.idx.msk $0xffff, v14;
	v39 =	vld.idx.msk [tilespmem:v22+s16+$0x0], $0xffff  }
0x92: {  	p0 =	por $0x0, $0x0;
	p1 =	por $0x0, $0x0;
	s21 =	simm.s32 $0x230;
	v48 =	vor.u32 $0x4, v1;
	v5 =	vor.u32 $0x36, v12;
	v40 =	vld.idx.msk [tilespmem:v1+s16+$0x0], $0xffff;
	v1 =	vor.u32 $0x3B, v12  }
0x93: {  	_ =	sdelay $0x3  }
0x94: {  	v12 =	vld [tilespmem:s21+$0x0];
	[tilespmem:v50+s0+$0x0] =	vst.idx.msk $0xffff, v39  }
0x95: {  	v17 =	vor.u32 $0x33, v4;
	v14 =	vld.idx.msk [tilespmem:v51+s14+$0x0], $0xffff  }
0x96: {  	v18 =	vld [tilespmem:s21+$0xFFFFFFF0];
	v19 =	vor.u32 $0x1, v22  }
0x97: {  	[tilespmem:v24+s0+$0x0] =	vst.idx.msk $0xffff, v40  }
0x98: {  	v10 =	vld.idx.msk [tilespmem:v10+s14+$0x0], $0xffff  }
0x99: {  	s29 =	simm.s32 $0x430  }
0x9a: {  	v20 =	vshll.u32 v12, $0x3;
	v12 =	vld [tilespmem:s29+$0x0];
	[tilespmem:v17+s0+$0x0] =	vst.idx.msk $0xffff, v14  }
0x9b: {  	s25 =	simm.s32 $0x30;
	v21 =	vor.u32 $0x38, v4;
	v14 =	vshll.u32 v18, $0x3;
	v17 =	vld.idx.msk [tilespmem:v19+s16+$0x0], $0xffff  }
0x9c: {  	s26 =	simm.s32 $0x20;
	v24 =	vor.u32 $0x2, v32;
	v18 =	vld [tilespmem:s29+$0xFFFFFFF0];
	v19 =	vmov s25  }
0x9d: {  	v23 =	vmov s26;
	[tilespmem:v9+s0+$0x0] =	vst.idx.msk $0xffff, v10;
	v19 =	vshll.u32 v19, $0x6  }
0x9e: {  	v23 =	vshll.u32 v23, $0x6;
	v35 =	vld.idx.msk [tilespmem:v6+s16+$0x0], $0xffff;
	v25 =	vor.u32 v0, v19  }
0x9f: {  	v37 =	vor.u32 $0x34, v4;
	v34 =	vor.u32 v0, v23;
	v26 =	vld.idx.msk [tilespmem:v20+s14+$0x0], $0xffff;
	v27 =	vor.u32 $0x32, v25  }
0xa0: {  	v38 =	vor.u32 $0x2, v22;
	v30 =	vor.u32 $0x32, v34;
	v23 =	vshll.u32 v12, $0x3;
	v28 =	vld.idx.msk [tilespmem:v14+s14+$0x0], $0xffff;
	[tilespmem:v21+s0+$0x0] =	vst.idx.msk $0xffff, v17  }
0xa1: {  	v61 =	vmovc v48;
	v52 =	vor.u32 $0x39, v4;
	v48 =	vor.u32 $0x38, v34;
	v12 =	vshll.u32 v18, $0x3;
	v36 =	vld.idx.msk [tilespmem:v24+s14+$0x0], $0xffff  }
0xa2: {  	p2 =	por $0x1, $0x1;
	v31 =	vor.u32 $0x34, v34;
	v51 =	vor.u32 $0x1, v20;
	v10 =	vor.u32 $0x1, v14  }
.Ltmp4:
0xa3: {  	v60 =	vor.u32 $0x2, v14;
	v9 =	vor.u32 $0x33, v34;
	v19 =	vor.u32 $0x35, v34;
	[tilespmem:v11+s0+$0x0] =	vst.idx.msk $0xffff, v35;
	(pc) =	sbr.rel @!p2 .LBB2_7-.Ltmp4, $4  }
0xa4: {  	v50 =	vor.u32 $0x37, v25;
	v21 =	vor.u32 $0x3, v14;
	v6 =	vor.u32 $0x1, v12;
	v42 =	vld.idx.msk [tilespmem:v15+s14+$0x0], $0xffff;
	[tilespmem:v27+s0+$0x0] =	vst.idx.msk $0xffff, v26  }
0xa5: {  	v29 =	vor.u32 $0x2, v12;
	v18 =	vor.u32 $0x3, v12;
	v7 =	vor.u32 $0x4, v12;
	v39 =	vld.idx.msk [tilespmem:v23+s16+$0x0], $0xffff;
	[tilespmem:v30+s0+$0x0] =	vst.idx.msk $0xffff, v28  }
0xa6: {  	v24 =	vor.u32 $0x37, v34;
	v35 =	vor.u32 $0x3B, v34;
	v27 =	vor.u32 $0x39, v34;
	v40 =	vld.idx.msk [tilespmem:v12+s16+$0x0], $0xffff;
	[tilespmem:v37+s0+$0x0] =	vst.idx.msk $0xffff, v36  }
0xa7: {  	s21 =	simm.s32 $0x250;
	p0 =	por $0x1, $0x1;
	v26 =	vor.u32 $0x36, v34;
	v30 =	vor.u32 $0x3A, v34;
	v28 =	vor.u32 $0x4, v14;
	v47 =	vld.idx.msk [tilespmem:v38+s16+$0x0], $0xffff  }
0xa8: {  	_ =	sdelay $0x2  }
0xa9: {  	v34 =	vld [tilespmem:s21+$0xFFFFFFF0]  }
0xaa: {  	v11 =	vld [tilespmem:s21+$0x0];
	[tilespmem:v50+s0+$0x0] =	vst.idx.msk $0xffff, v39  }
0xab: {  	v12 =	vor.u32 $0x3, v32;
	v15 =	vor.u32 $0x33, v25;
	v14 =	vld.idx.msk [tilespmem:v51+s14+$0x0], $0xffff  }
0xac: {  	v36 =	vor.u32 $0x1, v23;
	s21 =	simm.s32 $0x450;
	[tilespmem:v16+s0+$0x0] =	vst.idx.msk $0xffff, v42  }
0xad: {  	v16 =	vld [tilespmem:s21+$0xFFFFFFF0];
	[tilespmem:v24+s0+$0x0] =	vst.idx.msk $0xffff, v40  }
0xae: {  	v10 =	vld.idx.msk [tilespmem:v10+s14+$0x0], $0xffff;
	v34 =	vshll.u32 v34, $0x3  }
0xaf: {  	s26 =	simm.s32 $0x40;
	v24 =	vld [tilespmem:s21+$0x0];
	[tilespmem:v52+s0+$0x0] =	vst.idx.msk $0xffff, v47  }
0xb0: {  	v55 =	vmov s26;
	v12 =	vld.idx.msk [tilespmem:v12+s14+$0x0], $0xffff;
	v38 =	vshll.u32 v11, $0x3;
	v11 =	vor.u32 $0x35, v4;
	[tilespmem:v15+s0+$0x0] =	vst.idx.msk $0xffff, v14  }
0xb1: {  	s25 =	simm.s32 $0x50;
	v37 =	vor.u32 $0x38, v25;
	v39 =	vshll.u32 v55, $0x6;
	v15 =	vor.u32 $0x3, v22;
	v36 =	vld.idx.msk [tilespmem:v36+s16+$0x0], $0xffff  }
0xb2: {  	v56 =	vor.u32 $0x2, v20;
	v13 =	vld.idx.msk [tilespmem:v13+s16+$0x0], $0xffff;
	v43 =	vor.u32 v0, v39;
	v14 =	vmov s25  }
0xb3: {  	v49 =	vor.u32 $0x32, v43;
	v14 =	vshll.u32 v14, $0x6;
	[tilespmem:v9+s0+$0x0] =	vst.idx.msk $0xffff, v10;
	v47 =	vld.idx.msk [tilespmem:v34+s14+$0x0], $0xffff  }
0xb4: {  	v57 =	vshll.u32 v16, $0x3;
	v14 =	vor.u32 v0, v14;
	v62 =	vld.idx.msk [tilespmem:v6+s16+$0x0], $0xffff  }
0xb5: {  	v41 =	vld.idx.msk [tilespmem:v38+s14+$0x0], $0xffff;
	[tilespmem:v11+s0+$0x0] =	vst.idx.msk $0xffff, v12;
	v42 =	vor.u32 $0x32, v14  }
0xb6: {  	v46 =	vor.u32 $0x3A, v4;
	v32 =	vor.u32 $0x4, v32;
	v12 =	vshll.u32 v24, $0x3;
	v44 =	vld.idx.msk [tilespmem:v15+s16+$0x0], $0xffff;
	[tilespmem:v37+s0+$0x0] =	vst.idx.msk $0xffff, v36  }
0xb7: {  	v53 =	vor.u32 $0x34, v25;
	v55 =	vor.u32 $0x2, v23;
	v17 =	vor.u32 $0x38, v43;
	[tilespmem:v8+s0+$0x0] =	vst.idx.msk $0xffff, v13;
	v63 =	vld.idx.msk [tilespmem:v56+s14+$0x0], $0xffff  }
0xb8: {  	v52 =	vor.u32 $0x39, v25;
	v45 =	vor.u32 $0x3, v34;
	v16 =	vor.u32 $0x34, v43;
	v54 =	vld.idx.msk [tilespmem:v58+s14+$0x0], $0xffff;
	[tilespmem:v49+s0+$0x0] =	vst.idx.msk $0xffff, v47  }
0xb9: {  	p2 =	por $0x1, $0x1;
	v51 =	vor.u32 $0x1, v38;
	v13 =	vor.u32 $0x2, v57;
	v9 =	vor.u32 $0x33, v43;
	[tilespmem:v48+s0+$0x0] =	vst.idx.msk $0xffff, v62;
	v40 =	vld.idx.msk [tilespmem:v57+s16+$0x0], $0xffff  }
.Ltmp5:
0xba: {  	v10 =	vor.u32 $0x39, v43;
	v11 =	vor.u32 $0x1, v34;
	v24 =	vor.u32 $0x37, v43;
	[tilespmem:v42+s0+$0x0] =	vst.idx.msk $0xffff, v41;
	v42 =	vld.idx.msk [tilespmem:v60+s14+$0x0], $0xffff;
	(pc) =	sbr.rel @!p2 .LBB2_9-.Ltmp5, $4  }
0xbb: {  	v6 =	vmovc v7;
	v7 =	vor.u32 $0x1, v57;
	v50 =	vor.u32 $0x37, v14;
	v15 =	vor.u32 $0x2, v34;
	v39 =	vld.idx.msk [tilespmem:v12+s16+$0x0], $0xffff;
	[tilespmem:v46+s0+$0x0] =	vst.idx.msk $0xffff, v44  }
0xbc: {  	v36 =	vor.u32 $0x4, v34;
	v34 =	vor.u32 $0x3B, v43;
	v49 =	vor.u32 $0x36, v43;
	v37 =	vld.idx.msk [tilespmem:v32+s14+$0x0], $0xffff;
	[tilespmem:v53+s0+$0x0] =	vst.idx.msk $0xffff, v63  }
0xbd: {  	[tilespmem:v33+s0+$0x0] =	vst.idx.msk $0xffff, v54;
	v46 =	vor.u32 $0x35, v43;
	v32 =	vor.u32 $0x3A, v43;
	v43 =	vor.u32 $0x36, v4;
	v47 =	vld.idx.msk [tilespmem:v55+s16+$0x0], $0xffff  }
0xbe: {  	s28 =	simm.s32 $0x270;
	p1 =	por $0x1, $0x1;
	s26 =	simm.s32 $0x4;
	v8 =	vmovc v61;
	v48 =	vor.u32 $0x4, v57;
	v41 =	vor.u32 $0x3, v57;
	v44 =	vor.u32 $0x4, v22;
	v55 =	vld.idx.msk [tilespmem:v59+s16+$0x0], $0xffff  }
.LBB2_10:
0xbf: {  	v33 =	vld [tilespmem:s28+$0x0]  }
0xc0: {  	v0 =	vld [tilespmem:$0x1FFF0];
	[tilespmem:v50+s0+$0x0] =	vst.idx.msk $0xffff, v39  }
0xc1: {  	[tilespmem:v24+s0+$0x0] =	vst.idx.msk $0xffff, v40;
	v53 =	vld.idx.msk [tilespmem:v51+s14+$0x0], $0xffff  }
0xc2: {  	v50 =	vor.u32 $0x3, v20;
	[tilespmem:v43+s0+$0x0] =	vst.idx.msk $0xffff, v37;
	v40 =	vld [tilespmem:s28+$0xFFFFFFF0]  }
0xc3: {  	v24 =	vor.u32 $0x33, v14;
	[tilespmem:v31+s0+$0x0] =	vst.idx.msk $0xffff, v42;
	v37 =	vld.idx.msk [tilespmem:v44+s16+$0x0], $0xffff  }
0xc4: {  	v54 =	vor.u32 $0x1, v12;
	v56 =	vor.u32 $0x3B, v4;
	v4 =	vmovc v25;
	v25 =	vmov v14;
	v14 =	vld.idx.msk [tilespmem:v11+s14+$0x0], $0xffff;
	[tilespmem:v2+s0+$0x0] =	vst.idx.msk $0xffff, v55  }
0xc5: {  	s21 =	sadd.s32 $0x20, s21;
	[tilespmem:v52+s0+$0x0] =	vst.idx.msk $0xffff, v47;
	v57 =	vld.idx.msk [tilespmem:v29+s16+$0x0], $0xffff  }
0xc6: {  	v2 =	vmovc v30;
	v30 =	vmov v32;
	v32 =	vshll.u32 v33, $0x3;
	v29 =	vmov v13;
	v13 =	vld [tilespmem:s21+$0x0]  }
0xc7: {  	s25 =	sadd.s32 $0x20, s25;
	v58 =	vor.u32 $0x35, v4;
	v31 =	vmov v16;
	v16 =	vld.idx.msk [tilespmem:v50+s14+$0x0], $0xffff  }
0xc8: {  	v22 =	vmovc v1;
	v1 =	vmovc v35;
	v63 =	vor.u32 $0x2, v38;
	v60 =	vmov s25;
	v59 =	vld [tilespmem:s21+$0xFFFFFFF0];
	[tilespmem:v24+s0+$0x0] =	vst.idx.msk $0xffff, v53;
	v24 =	vor.u32 $0x3, v23  }
0xc9: {  	v35 =	vmovc v34;
	v61 =	vor.u32 $0x38, v25;
	v42 =	vshll.u32 v60, $0x6;
	v34 =	vshll.u32 v40, $0x3;
	v40 =	vld.idx.msk [tilespmem:v54+s16+$0x0], $0xffff;
	[tilespmem:v9+s0+$0x0] =	vst.idx.msk $0xffff, v14  }
0xca: {  	s29 =	sadd.s32 $0xFFFFFFF0, s25;
	v43 =	vor.u32 $0x4, v20;
	v55 =	vor.u32 $0x3A, v4;
	[tilespmem:v56+s0+$0x0] =	vst.idx.msk $0xffff, v37;
	v11 =	vor.u32 $0x1, v34;
	v50 =	vld.idx.msk [tilespmem:v3+s14+$0x0], $0xffff  }
0xcb: {  	v62 =	vmov s29;
	v14 =	vor.u32 v0, v42;
	v3 =	vmovc v28;
	v28 =	vmov v36;
	v36 =	vld.idx.msk [tilespmem:v32+s14+$0x0], $0xffff;
	[tilespmem:v27+s0+$0x0] =	vst.idx.msk $0xffff, v57  }
0xcc: {  	v9 =	vshll.u32 v62, $0x6;
	v52 =	vor.u32 $0x2, v34;
	v44 =	vor.u32 $0x32, v14;
	v57 =	vld.idx.msk [tilespmem:v7+s16+$0x0], $0xffff;
	[tilespmem:v58+s0+$0x0] =	vst.idx.msk $0xffff, v16  }
0xcd: {  	v39 =	vor.u32 $0x3, v34;
	v42 =	vor.u32 v0, v9;
	v54 =	vshll.u32 v13, $0x3;
	v33 =	vld.idx.msk [tilespmem:v24+s16+$0x0], $0xffff  }
0xce: {  	v20 =	vmovc v38;
	v38 =	vmovc v32;
	v62 =	vor.u32 $0x2, v12;
	v56 =	vshll.u32 v59, $0x3;
	v53 =	vor.u32 $0x32, v42;
	v51 =	vld.idx.msk [tilespmem:v34+s14+$0x0], $0xffff  }
0xcf: {  	v27 =	vmovc v10;
	v59 =	vor.u32 $0x34, v25;
	v9 =	vor.u32 $0x33, v42;
	v7 =	vor.u32 $0x1, v56;
	v60 =	vld.idx.msk [tilespmem:v21+s14+$0x0], $0xffff;
	[tilespmem:v61+s0+$0x0] =	vst.idx.msk $0xffff, v40  }
0xd0: {  	v13 =	vor.u32 $0x2, v56;
	v21 =	vmovc v45;
	v10 =	vor.u32 $0x39, v42;
	v0 =	vor.u32 $0x3, v56;
	v47 =	vld.idx.msk [tilespmem:v63+s14+$0x0], $0xffff;
	[tilespmem:v5+s0+$0x0] =	vst.idx.msk $0xffff, v50  }
0xd1: {  	s26 =	sadd.s32 $0x2, s26;
	v45 =	vmovc v39;
	v32 =	vor.u32 $0x3A, v42;
	v58 =	vor.u32 $0x38, v42;
	v16 =	vor.u32 $0x34, v42;
	[tilespmem:v44+s0+$0x0] =	vst.idx.msk $0xffff, v36;
	v63 =	vld.idx.msk [tilespmem:v8+s16+$0x0], $0xffff  }
0xd2: {  	p2 =	slt.u32 s26, $0x1E;
	v24 =	vor.u32 $0x37, v42;
	v61 =	vor.u32 $0x35, v42;
	v36 =	vor.u32 $0x4, v34;
	v5 =	vmovc v26;
	v39 =	vld.idx.msk [tilespmem:v54+s16+$0x0], $0xffff;
	[tilespmem:v55+s0+$0x0] =	vst.idx.msk $0xffff, v33  }
.Ltmp6:
0xd3: {  	v50 =	vor.u32 $0x37, v14;
	v26 =	vmovc v49;
	v49 =	vor.u32 $0x36, v42;
	v34 =	vor.u32 $0x3B, v42;
	[tilespmem:v53+s0+$0x0] =	vst.idx.msk $0xffff, v51;
	v37 =	vld.idx.msk [tilespmem:v43+s14+$0x0], $0xffff;
	(pc) =	sbr.rel @p2 .LBB2_10-.Ltmp6, $4  }
0xd4: {  	v44 =	vor.u32 $0x4, v23;
	v23 =	vmovc v12;
	v12 =	vmov v54;
	v8 =	vmov v6;
	v40 =	vld.idx.msk [tilespmem:v56+s16+$0x0], $0xffff;
	[tilespmem:v17+s0+$0x0] =	vst.idx.msk $0xffff, v57  }
0xd5: {  	v6 =	vmovc v48;
	v33 =	vor.u32 $0x4, v56;
	v51 =	vor.u32 $0x1, v38;
	v43 =	vor.u32 $0x36, v4;
	v42 =	vld.idx.msk [tilespmem:v15+s14+$0x0], $0xffff;
	[tilespmem:v59+s0+$0x0] =	vst.idx.msk $0xffff, v47  }
0xd6: {  	v17 =	vmovc v58;
	v48 =	vmov v33;
	v15 =	vmov v52;
	[tilespmem:v19+s0+$0x0] =	vst.idx.msk $0xffff, v60;
	v19 =	vmov v46;
	v47 =	vld.idx.msk [tilespmem:v62+s16+$0x0], $0xffff  }
0xd7: {  	s28 =	sadd.s32 $0x20, s28;
	v46 =	vmovc v61;
	v52 =	vor.u32 $0x39, v25;
	v55 =	vld.idx.msk [tilespmem:v18+s16+$0x0], $0xffff;
	[tilespmem:v22+s0+$0x0] =	vst.idx.msk $0xffff, v63;
	v18 =	vmov v41;
	v41 =	vmov v0  }
0xd8: {  	v60 =	vmov v1;
	v0 =	vmov v4  }
0xd9: {  	v61 =	vmovc v2;
	v62 =	vmovc v3;
	v57 =	vmov v20;
	v1 =	vmov v34;
	v53 =	vmov v31  }
0xda: {  	v4 =	vmovc v25;
	v25 =	vmovc v5;
	v63 =	vmov v30;
	v2 =	vmov v32;
	v54 =	vmov v29  }
0xdb: {  	v22 =	vmovc v23;
	v32 =	vmovc v38;
	v38 =	vmov v28;
	v3 =	vmov v36;
	v56 =	vmov v27  }
0xdc: {  	v36 =	vmovc v21;
	v21 =	vmovc v8;
	v58 =	vmov v45;
	v45 =	vmov v26;
	v5 =	vmov v49  }
0xdd: {  	v49 =	vmovc v19;
	v33 =	vmovc v46;
	v46 =	vmov v6;
	v34 =	vmov v18;
	v59 =	vmov v41  }
0xde: {  	v6 =	vmovc v7;
	v8 =	vmovc v10;
	v10 =	vmov v11;
	v11 =	vmov v17;
	v23 =	vmov v0  }
.LBB2_12:
0xdf: {  	_ =	sdelay $0x3  }
0xe0: {  	[tilespmem:v50+s0+$0x0] =	vst.idx.msk $0xffff, v39  }
0xe1: {  	v17 =	vor.u32 $0x33, v14;
	v0 =	vld.idx.msk [tilespmem:v51+s14+$0x0], $0xffff  }
0xe2: {  	[tilespmem:v24+s0+$0x0] =	vst.idx.msk $0xffff, v40;
	v18 =	vor.u32 $0x1, v12  }
0xe3: {  	v10 =	vld.idx.msk [tilespmem:v10+s14+$0x0], $0xffff;
	_ =	sdelay $0x2  }
0xe4: {  	[tilespmem:v17+s0+$0x0] =	vst.idx.msk $0xffff, v0  }
0xe5: {  	v41 =	vor.u32 $0x38, v14;
	v0 =	vld.idx.msk [tilespmem:v18+s16+$0x0], $0xffff  }
0xe6: {  	v50 =	vor.u32 $0x2, v32;
	[tilespmem:v9+s0+$0x0] =	vst.idx.msk $0xffff, v10  }
0xe7: {  	v6 =	vld.idx.msk [tilespmem:v6+s16+$0x0], $0xffff;
	_ =	sdelay $0x2  }
0xe8: {  	[tilespmem:v41+s0+$0x0] =	vst.idx.msk $0xffff, v0  }
0xe9: {  	v51 =	vor.u32 $0x34, v14;
	v0 =	vld.idx.msk [tilespmem:v50+s14+$0x0], $0xffff  }
0xea: {  	[tilespmem:v11+s0+$0x0] =	vst.idx.msk $0xffff, v6;
	v6 =	vor.u32 $0x2, v12  }
0xeb: {  	v10 =	vld.idx.msk [tilespmem:v15+s14+$0x0], $0xffff  }
0xec: {  	[tilespmem:v53+s0+$0x0] =	vst.idx.msk @p0 $0xffff, v42  }
0xed: {  	v11 =	vor.u32 @p0 $0x3, v57;
	v15 =	vld.idx.msk @p0 [tilespmem:v54+s16+$0x0], $0xffff  }
0xee: {  	[tilespmem:v51+s0+$0x0] =	vst.idx.msk $0xffff, v0  }
0xef: {  	v0 =	vld.idx.msk [tilespmem:v6+s16+$0x0], $0xffff;
	v6 =	vor.u32 $0x39, v14  }
0xf0: {  	v53 =	vor.u32 $0x3, v32;
	[tilespmem:v16+s0+$0x0] =	vst.idx.msk $0xffff, v10  }
0xf1: {  	[tilespmem:v52+s0+$0x0] =	vst.idx.msk @p0 $0xffff, v47;
	v10 =	vld.idx.msk [tilespmem:v13+s16+$0x0], $0xffff  }
0xf2: {  	v11 =	vld.idx.msk @p0 [tilespmem:v11+s14+$0x0], $0xffff;
	[tilespmem:v56+s0+$0x0] =	vst.idx.msk @p0 $0xffff, v15;
	v13 =	vor.u32 @p0 $0x35, v4  }
0xf3: {  	v15 =	vor.u32 @p0 $0x3, v22;
	v16 =	vld.idx.msk @p0 [tilespmem:v36+s14+$0x0], $0xffff  }
0xf4: {  	[tilespmem:v6+s0+$0x0] =	vst.idx.msk $0xffff, v0  }
0xf5: {  	v0 =	vld.idx.msk [tilespmem:v53+s14+$0x0], $0xffff  }
0xf6: {  	v6 =	vor.u32 $0x35, v14;
	[tilespmem:v8+s0+$0x0] =	vst.idx.msk $0xffff, v10  }
0xf7: {  	v54 =	vor.u32 $0x3, v12;
	[tilespmem:v13+s0+$0x0] =	vst.idx.msk @p0 $0xffff, v11;
	v56 =	vld.idx.msk [tilespmem:v58+s14+$0x0], $0xffff  }
0xf8: {  	v11 =	vor.u32 @p0 $0x3A, v4;
	[tilespmem:v49+s0+$0x0] =	vst.idx.msk @p0 $0xffff, v16;
	v10 =	vld.idx.msk @p0 [tilespmem:v15+s16+$0x0], $0xffff  }
0xf9: {  	v13 =	vmov @p0 v63;
	v15 =	vor.u32 @p0 $0x4, v57;
	v16 =	vld.idx.msk @p0 [tilespmem:v34+s16+$0x0], $0xffff  }
0xfa: {  	[tilespmem:v61+s0+$0x0] =	vst.idx.msk @p1 $0xffff, v55;
	v17 =	vmov @p0 v38;
	v13 =	vpsel p0, v13, v0  }
0xfb: {  	[tilespmem:v6+s0+$0x0] =	vst.idx.msk $0xffff, v0;
	v0 =	vpsel p0, v17, v0  }
0xfc: {  	v57 =	vor.u32 $0x3A, v14;
	[tilespmem:v33+s0+$0x0] =	vst.idx.msk $0xffff, v56;
	v6 =	vld.idx.msk [tilespmem:v54+s16+$0x0], $0xffff  }
0xfd: {  	v58 =	vor.u32 $0x4, v32;
	[tilespmem:v11+s0+$0x0] =	vst.idx.msk @p0 $0xffff, v10;
	v61 =	vld.idx.msk [tilespmem:v59+s16+$0x0], $0xffff  }
0xfe: {  	v10 =	vld.idx.msk @p0 [tilespmem:v15+s14+$0x0], $0xffff;
	v15 =	vpsel p0, v16, v0  }
0xff: {  	v19 =	vor.u32 @p0 $0x4, v22;
	v18 =	vld.idx.msk @p1 [tilespmem:v62+s14+$0x0], $0xffff;
	v11 =	vor.u32 @p0 $0x36, v4;
	v16 =	vmov @p0 v45;
	[tilespmem:v13+s0+$0x0] =	vst.idx.msk @p0 $0xffff, v15  }
0x100: {  	v11 =	vpsel p0, v11, v0;
	v13 =	vpsel p0, v19, v0;
	v15 =	vpsel p0, v16, v0;
	v0 =	vld.idx.msk @p0 [tilespmem:v0+s14+$0x0], $0xffff  }
0x101: {  	[tilespmem:v57+s0+$0x0] =	vst.idx.msk $0xffff, v6  }
0x102: {  	v62 =	vor.u32 $0x36, v14;
	[tilespmem:v2+s0+$0x0] =	vst.idx.msk $0xffff, v61;
	v8 =	vld.idx.msk [tilespmem:v58+s14+$0x0], $0xffff  }
0x103: {  	[tilespmem:v43+s0+$0x0] =	vst.idx.msk @p1 $0xffff, v37;
	v2 =	vor.u32 $0x4, v12;
	v3 =	vld.idx.msk [tilespmem:v3+s14+$0x0], $0xffff  }
0x104: {  	v20 =	vmov @p0 v46;
	[tilespmem:v25+s0+$0x0] =	vst.idx.msk @p1 $0xffff, v18  }
0x105: {  	v17 =	vmov @p1 v60;
	v19 =	vld.idx.msk @p1 [tilespmem:v21+s16+$0x0], $0xffff;
	v6 =	vpsel p0, v20, v0;
	v10 =	vpsel p0, v10, v0  }
0x106: {  	v16 =	vor.u32 @p1 $0x3B, v23;
	v12 =	vld.idx.msk @p1 [tilespmem:v44+s16+$0x0], $0xffff;
	v4 =	vpsel p0, v4, v0;
	[tilespmem:v11+s0+$0x0] =	vst.idx.msk @p0 $0xffff, v10  }
0x107: {  	v4 =	vor.u32 @p0 $0x3B, v4;
	[tilespmem:v62+s0+$0x0] =	vst.idx.msk $0xffff, v8;
	v11 =	vld.idx.msk @p0 [tilespmem:v13+s16+$0x0], $0xffff  }
0x108: {  	v18 =	vmov @p0 v35;
	v63 =	vor.u32 $0x3B, v14;
	[tilespmem:v5+s0+$0x0] =	vst.idx.msk $0xffff, v3;
	v2 =	vld.idx.msk [tilespmem:v2+s16+$0x0], $0xffff  }
0x109: {  	[tilespmem:v15+s0+$0x0] =	vst.idx.msk @p0 $0xffff, v0;
	v10 =	vpsel p0, v18, v0;
	v3 =	vld.idx.msk [tilespmem:v48+s16+$0x0], $0xffff  }
0x10a: {  	[tilespmem:v17+s0+$0x0] =	vst.idx.msk @p1 $0xffff, v19;
	v0 =	vmov @p0 v10;
	v6 =	vld.idx.msk @p0 [tilespmem:v6+s16+$0x0], $0xffff  }
0x10b: {  	[tilespmem:v16+s0+$0x0] =	vst.idx.msk @p1 $0xffff, v12  }
0x10c: {  	[tilespmem:v4+s0+$0x0] =	vst.idx.msk @p0 $0xffff, v11  }
0x10d: {  	[tilespmem:v63+s0+$0x0] =	vst.idx.msk $0xffff, v2  }
0x10e: {  	s13 =	sshll.u32 s13, $0x3;
	[tilespmem:v1+s0+$0x0] =	vst.idx.msk $0xffff, v3  }
0x10f: {  	s13 =	sadd.s32 s10, s13;
	[tilespmem:v0+s0+$0x0] =	vst.idx.msk @p0 $0xffff, v6;
	p0 =	seq.s32 s23, $0x18  }
0x110: {  	[hbm4b:s13+s3] =	stream.linear.scatter [tilespmem:s0], [sflag:$0x3], $0x8000, $0x38;
	[tilespmem:$0x1FF00] =	vst v63  }
0x111: {  	s11 =	sadd.s32 @!p0 s11, s12;
	_ =	swait.ge [sflag:s1], $0x7000  }
0x112: {  	s11 =	sshrl.u32 @!p0 s11, $0x3;
	[sflag:s1] =	ssyncset.done $0x0  }
0x113: {  	s13 =	simm.s32 @!p0 $0x0;
	s11 =	sadd.s32 @!p0 s4, s11;
	[sflag:s1] =	ssyncadd.s32 $0xFFFF9000  }
0x114: {  	[tilespmem:s13], [sflag:$0x4] =	stream.linear.gather @!p0 [hbm4b:s11+s13], $0x200, $0x38;
	[tilespmem:$0x1FF00] =	vst v63  }
0x115: {  	s11 =	simm.s32 @!p0 $0x4  }
0x116: {  	_ =	swait.ge @!p0 [sflag:s11], $0x200  }
0x117: {  	[sflag:s11] =	ssyncset.done @!p0 $0x0  }
0x118: {  	s21 =	simm.s32 @!p0 $0x600;
	[sflag:s11] =	ssyncadd.s32 @!p0 $0xFFFFFE00;
	s11 =	simm.s32 @!p0 $0x80  }
0x119: {  	[tilespmem:s21], [sflag:$0x1] =	stream.indirect.gather @!p0 [hbm4b:s2+s11], $0x38, s13, s11, $0xb8;
	[tilespmem:$0x1FF00] =	vst v63  }
0x11a: {  	s13 =	simm.s32 @!p0 $0x2200  }
0x11b: {  	[tilespmem:s13], [sflag:$0x1] =	stream.indirect.gather @!p0 [hbm4b:s2+s11], $0x38, s11, s11, $0xb8;
	[tilespmem:$0x1FF00] =	vst v63  }
0x11c: {  	s21 =	simm.s32 @!p0 $0x3E00;
	s13 =	simm.s32 @!p0 $0x100  }
0x11d: {  	[tilespmem:s21], [sflag:$0x1] =	stream.indirect.gather @!p0 [hbm4b:s2+s11], $0x38, s13, s11, $0xb8;
	[tilespmem:$0x1FF00] =	vst v63  }
0x11e: {  	p1 =	seq.s32 @!p0 s23, $0x0;
	s13 =	simm.s32 @!p0 $0x180;
	s21 =	simm.s32 @!p0 $0x5A00  }
0x11f: {  	[tilespmem:s21], [sflag:$0x1] =	stream.indirect.gather @!p0 [hbm4b:s2+s11], $0x38, s13, s11, $0xb8;
	[tilespmem:$0x1FF00] =	vst v63  }
0x120: {  	p0 =	por p0, !p1  }
0x121: {  	_ =	swait.ge @p0 [sflag:s19], $0x8000  }
0x122: {  	[sflag:s19] =	ssyncset.done @p0 $0x0  }
0x123: {  	s26 =	sadd.s32 s5, s9;
	[sflag:s19] =	ssyncadd.s32 @p0 $0xFFFF8000  }
0x124: {  	[tilespmem:s30], [sflag:$0x4] =	stream.linear.gather [hbm4b:s26+s3], $0x200, $0x38;
	[tilespmem:$0x1FF00] =	vst v63  }
0x125: {  	_ =	swait.ge [sflag:s15], $0x200  }
0x126: {  	[sflag:s15] =	ssyncset.done $0x0  }
0x127: {  	s28 =	sadd.s32 s7, s9;
	[sflag:s15] =	ssyncadd.s32 $0xFFFFFE00  }
0x128: {  	[tilespmem:s31], [sflag:$0x4] =	stream.linear.gather [hbm4b:s28+s3], $0x200, $0x38;
	[tilespmem:$0x1FF00] =	vst v63  }
0x129: {  	_ =	swait.ge [sflag:s15], $0x200  }
0x12a: {  	[sflag:s15] =	ssyncset.done $0x0  }
0x12b: {  	s29 =	simm.s32 $0x76D0;
	[sflag:s15] =	ssyncadd.s32 $0xFFFFFE00  }
0x12c: {  	v1 =	vld [tilespmem:s29+$0xFFFFFF68]  }
0x12d: {  	v0 =	vld [tilespmem:s29+$0xFFFFFFD8];
	_ =	sdelay $0x1  }
0x12e: {  	v2 =	vld [tilespmem:s29+$0xFFFFFFA0]  }
0x12f: {  	s9 =	simm.s32 $0x166E8  }
0x130: {  	v3 =	vld [tilespmem:s29+$0xFFFFFF30];
	[tilespmem:s9+$0xFFFFFF58] =	vst v1  }
0x131: {  	[tilespmem:s9+$0xFFFFFFD8] =	vst v0;
	v1 =	vld [tilespmem:s29+$0xFFFFFF78]  }
0x132: {  	s11 =	simm.s32 $0x77B0;
	v0 =	vld [tilespmem:s29+$0xFFFFFFE8]  }
0x133: {  	v4 =	vld [tilespmem:s11+$0xFFFFFFD8];
	[tilespmem:s9+$0xFFFFFF98] =	vst v2  }
0x134: {  	v2 =	vld [tilespmem:s29+$0xFFFFFFB0]  }
0x135: {  	v5 =	vld [tilespmem:s11+$0xFFFFFF68];
	[tilespmem:s9+$0xFFFFFF18] =	vst v3  }
0x136: {  	v3 =	vld [tilespmem:s29+$0xFFFFFF40];
	[tilespmem:s9+$0xFFFFFF68] =	vst v1  }
0x137: {  	s13 =	simm.s32 $0x167E8;
	[tilespmem:s9+$0xFFFFFFE8] =	vst v0;
	v1 =	vld [tilespmem:s29+$0xFFFFFF88]  }
0x138: {  	[tilespmem:s13+$0xFFFFFFD8] =	vst v4;
	v0 =	vld [tilespmem:s29+$0xFFFFFFF8]  }
0x139: {  	v4 =	vld [tilespmem:s11+$0xFFFFFFE8];
	[tilespmem:s9+$0xFFFFFFA8] =	vst v2  }
0x13a: {  	[tilespmem:s13+$0xFFFFFF58] =	vst v5;
	v2 =	vld [tilespmem:s29+$0xFFFFFFC0]  }
0x13b: {  	[tilespmem:s9+$0xFFFFFF28] =	vst v3;
	v3 =	vld [tilespmem:s11+$0xFFFFFF30]  }
0x13c: {  	[tilespmem:s9+$0xFFFFFF78] =	vst v1;
	v1 =	vld [tilespmem:s11+$0xFFFFFFA0]  }
0x13d: {  	v5 =	vld [tilespmem:s11+$0xFFFFFF78];
	[tilespmem:s9+$0xFFFFFFF8] =	vst v0  }
0x13e: {  	[tilespmem:s13+$0xFFFFFFE8] =	vst v4;
	v0 =	vld [tilespmem:s29+$0x0]  }
0x13f: {  	[tilespmem:s9+$0xFFFFFFB8] =	vst v2;
	v2 =	vld [tilespmem:s29+$0xFFFFFF50]  }
0x140: {  	[tilespmem:s13+$0xFFFFFF18] =	vst v3  }
0x141: {  	v7 =	vld [tilespmem:s11+$0xFFFFFF40];
	[tilespmem:s13+$0xFFFFFF98] =	vst v1  }
0x142: {  	[tilespmem:s13+$0xFFFFFF68] =	vst v5;
	v6 =	vld [tilespmem:s11+$0xFFFFFFB0]  }
0x143: {  	[tilespmem:s9+$0x0] =	vst v0;
	v0 =	vld [tilespmem:s29+$0xFFFFFF90]  }
0x144: {  	v4 =	vld [tilespmem:s11+$0xFFFFFF88];
	[tilespmem:s9+$0xFFFFFF38] =	vst v2  }
0x145: {  	v1 =	vld [tilespmem:s29+$0xFFFFFF58]  }
0x146: {  	v3 =	vld [tilespmem:s11+$0xFFFFFFF8];
	[tilespmem:s13+$0xFFFFFF28] =	vst v7  }
0x147: {  	v2 =	vld [tilespmem:s29+$0xFFFFFFC8];
	[tilespmem:s13+$0xFFFFFFA8] =	vst v6  }
0x148: {  	[tilespmem:s9+$0xFFFFFF80] =	vst v0;
	v5 =	vld [tilespmem:s11+$0xFFFFFFC0]  }
0x149: {  	s25 =	simm.s32 $0x7890;
	s21 =	simm.s32 $0x4;
	v62 =	vld [tilespmem:$0x1FFF0]  }
.LBB2_13:
0x14a: {  	v0 =	vld [tilespmem:s25+$0xFFFFFFD8];
	s21 =	sadd.s32 $0x4, s21;
	[tilespmem:s9+$0xFFFFFF40] =	vst v1  }
0x14b: {  	v1 =	vld [tilespmem:s25+$0xFFFFFF68];
	p0 =	slt.u32 s21, $0x1FC;
	[tilespmem:s13+$0xFFFFFFF8] =	vst v3  }
0x14c: {  	[tilespmem:s13+$0xFFFFFF78] =	vst v4;
	v3 =	vld [tilespmem:s11+$0x0]  }
0x14d: {  	v4 =	vld [tilespmem:s25+$0xFFFFFFA0];
	[tilespmem:s9+$0xFFFFFFC0] =	vst v2;
	s9 =	smov.u32 s13  }
0x14e: {  	s13 =	sadd.s32 $0x100, s13;
	v2 =	vld [tilespmem:s25+$0xFFFFFF30];
	[tilespmem:s9+$0xFFFFFFB8] =	vst v5  }
0x14f: {  	[tilespmem:s13+$0xFFFFFFD8] =	vst v0;
	v0 =	vld [tilespmem:s11+$0xFFFFFF50]  }
0x150: {  	[tilespmem:s13+$0xFFFFFF58] =	vst v1;
	v1 =	vld [tilespmem:s25+$0xFFFFFFE8]  }
0x151: {  	v5 =	vld [tilespmem:s25+$0xFFFFFF78];
	[tilespmem:s9+$0x0] =	vst v3  }
0x152: {  	[tilespmem:s13+$0xFFFFFF98] =	vst v4;
	v6 =	vld [tilespmem:s11+$0xFFFFFF90]  }
0x153: {  	[tilespmem:s13+$0xFFFFFF18] =	vst v2;
	v2 =	vld [tilespmem:s25+$0xFFFFFFB0]  }
0x154: {  	v7 =	vld [tilespmem:s25+$0xFFFFFF40];
	[tilespmem:s9+$0xFFFFFF38] =	vst v0  }
.Ltmp7:
0x155: {  	[tilespmem:s13+$0xFFFFFFE8] =	vst v1;
	v1 =	vld [tilespmem:s11+$0xFFFFFF58];
	(pc) =	sbr.rel @p0 .LBB2_13-.Ltmp7, $4  }
0x156: {  	[tilespmem:s13+$0xFFFFFF68] =	vst v5;
	v3 =	vld [tilespmem:s25+$0xFFFFFFF8]  }
0x157: {  	v4 =	vld [tilespmem:s25+$0xFFFFFF88];
	[tilespmem:s9+$0xFFFFFF80] =	vst v6  }
0x158: {  	[tilespmem:s13+$0xFFFFFFA8] =	vst v2;
	v2 =	vld [tilespmem:s11+$0xFFFFFFC8];
	s11 =	smov.u32 s25  }
0x159: {  	s25 =	sadd.s32 $0xE0, s25;
	[tilespmem:s13+$0xFFFFFF28] =	vst v7;
	v5 =	vld [tilespmem:s11+$0xFFFFFFC0]  }
0x15a: {  	v0 =	vld [tilespmem:s11+$0xFFFFFF50]  }
0x15b: {  	[tilespmem:s9+$0xFFFFFF40] =	vst v1  }
0x15c: {  	[tilespmem:s13+$0xFFFFFFF8] =	vst v3  }
0x15d: {  	[tilespmem:s13+$0xFFFFFF78] =	vst v4;
	v3 =	vld [tilespmem:s11+$0x0]  }
0x15e: {  	v4 =	vld [tilespmem:s11+$0xFFFFFF90];
	[tilespmem:s13+$0xFFFFFFB8] =	vst v5  }
0x15f: {  	[tilespmem:s13+$0xFFFFFF38] =	vst v0;
	v1 =	vld [tilespmem:s11+$0xFFFFFFC8]  }
0x160: {  	v0 =	vld [tilespmem:s11+$0xFFFFFF58]  }
0x161: {  	[tilespmem:s9+$0xFFFFFFC0] =	vst v2  }
0x162: {  	[tilespmem:s13+$0x0] =	vst v3  }
0x163: {  	[tilespmem:s13+$0xFFFFFF80] =	vst v4  }
0x164: {  	[tilespmem:s13+$0xFFFFFFC0] =	vst v1  }
0x165: {  	s25 =	simm.s32 $0x210;
	[tilespmem:s13+$0xFFFFFF40] =	vst v0  }
0x166: {  	v0 =	vld [tilespmem:s25+$0x0]  }
0x167: {  	v1 =	vld [tilespmem:s25+$0xFFFFFFF0];
	_ =	sdelay $0x3  }
0x168: {  	s26 =	simm.s32 $0x410;
	v32 =	vshll.u32 v0, $0x3  }
0x169: {  	s28 =	simm.s32 $0x10;
	v0 =	vld [tilespmem:s26+$0x0];
	v1 =	vshll.u32 v1, $0x3  }
0x16a: {  	s29 =	simm.s32 $0x0;
	v3 =	vmov s28;
	v2 =	vld [tilespmem:s26+$0xFFFFFFF0]  }
0x16b: {  	v4 =	vmov s29;
	v3 =	vshll.u32 v3, $0x6  }
0x16c: {  	v5 =	vshll.u32 v4, $0x6;
	v4 =	vor.u32 v62, v3  }
0x16d: {  	v12 =	vor.u32 v62, v5;
	v5 =	vor.u32 $0x32, v4;
	v50 =	vor.u32 $0x37, v4;
	v3 =	vld.idx.msk [tilespmem:v32+s14+$0x0], $0xffff  }
0x16e: {  	v14 =	vor.u32 $0x32, v12;
	v24 =	vor.u32 $0x37, v12;
	v7 =	vld.idx.msk [tilespmem:v1+s14+$0x0], $0xffff;
	v22 =	vshll.u32 v0, $0x3  }
0x16f: {  	p2 =	por $0x1, $0x1;
	v9 =	vor.u32 $0x33, v12;
	v15 =	vor.u32 $0x38, v12;
	v0 =	vshll.u32 v2, $0x3  }
.Ltmp8:
0x170: {  	v16 =	vor.u32 $0x34, v12;
	v8 =	vor.u32 $0x39, v12;
	v33 =	vor.u32 $0x35, v12;
	(pc) =	sbr.rel @!p2 .LBB2_15-.Ltmp8, $4  }
0x171: {  	v10 =	vor.u32 $0x1, v1;
	v11 =	vor.u32 $0x2, v1;
	v58 =	vor.u32 $0x3, v1  }
0x172: {  	v51 =	vor.u32 $0x1, v32;
	v2 =	vor.u32 $0x3A, v12;
	v6 =	vor.u32 $0x1, v0;
	[tilespmem:v5+s18+$0x0] =	vst.idx.msk $0xffff, v3  }
0x173: {  	v13 =	vor.u32 $0x2, v0;
	v59 =	vor.u32 $0x3, v0;
	v3 =	vor.u32 $0x4, v1;
	[tilespmem:v14+s18+$0x0] =	vst.idx.msk $0xffff, v7;
	v39 =	vld.idx.msk [tilespmem:v22+s16+$0x0], $0xffff  }
0x174: {  	p0 =	por $0x0, $0x0;
	p1 =	por $0x0, $0x0;
	s9 =	simm.s32 $0x230;
	v5 =	vor.u32 $0x36, v12;
	v7 =	vor.u32 $0x4, v0;
	v1 =	vor.u32 $0x3B, v12;
	v40 =	vld.idx.msk [tilespmem:v0+s16+$0x0], $0xffff  }
0x175: {  	_ =	sdelay $0x3  }
0x176: {  	v0 =	vld [tilespmem:s9+$0x0];
	[tilespmem:v50+s18+$0x0] =	vst.idx.msk $0xffff, v39  }
0x177: {  	v14 =	vor.u32 $0x33, v4;
	v12 =	vld.idx.msk [tilespmem:v51+s14+$0x0], $0xffff  }
0x178: {  	v17 =	vld [tilespmem:s9+$0xFFFFFFF0];
	v18 =	vor.u32 $0x1, v22  }
0x179: {  	[tilespmem:v24+s18+$0x0] =	vst.idx.msk $0xffff, v40  }
0x17a: {  	v10 =	vld.idx.msk [tilespmem:v10+s14+$0x0], $0xffff  }
0x17b: {  	s29 =	simm.s32 $0x430  }
0x17c: {  	v20 =	vshll.u32 v0, $0x3;
	v0 =	vld [tilespmem:s29+$0x0];
	[tilespmem:v14+s18+$0x0] =	vst.idx.msk $0xffff, v12  }
0x17d: {  	s11 =	simm.s32 $0x30;
	v19 =	vor.u32 $0x38, v4;
	v12 =	vshll.u32 v17, $0x3;
	v14 =	vld.idx.msk [tilespmem:v18+s16+$0x0], $0xffff  }
0x17e: {  	s13 =	simm.s32 $0x20;
	v24 =	vor.u32 $0x2, v32;
	v17 =	vld [tilespmem:s29+$0xFFFFFFF0];
	v18 =	vmov s11  }
0x17f: {  	v21 =	vmov s13;
	[tilespmem:v9+s18+$0x0] =	vst.idx.msk $0xffff, v10;
	v18 =	vshll.u32 v18, $0x6  }
0x180: {  	v21 =	vshll.u32 v21, $0x6;
	v35 =	vld.idx.msk [tilespmem:v6+s16+$0x0], $0xffff;
	v25 =	vor.u32 v62, v18  }
0x181: {  	v36 =	vor.u32 $0x34, v4;
	v34 =	vor.u32 v62, v21;
	v18 =	vld.idx.msk [tilespmem:v20+s14+$0x0], $0xffff;
	v21 =	vor.u32 $0x32, v25  }
0x182: {  	v37 =	vor.u32 $0x2, v22;
	v28 =	vor.u32 $0x32, v34;
	v23 =	vshll.u32 v0, $0x3;
	v26 =	vld.idx.msk [tilespmem:v12+s14+$0x0], $0xffff;
	[tilespmem:v19+s18+$0x0] =	vst.idx.msk $0xffff, v14  }
0x183: {  	v52 =	vor.u32 $0x39, v4;
	v48 =	vor.u32 $0x38, v34;
	v0 =	vshll.u32 v17, $0x3;
	v14 =	vld.idx.msk [tilespmem:v24+s14+$0x0], $0xffff  }
0x184: {  	p2 =	por $0x1, $0x1;
	v31 =	vor.u32 $0x34, v34;
	v27 =	vor.u32 $0x39, v34;
	v30 =	vor.u32 $0x3A, v34  }
.Ltmp9:
0x185: {  	v51 =	vor.u32 $0x1, v20;
	v10 =	vor.u32 $0x1, v12;
	v60 =	vor.u32 $0x2, v12;
	[tilespmem:v15+s18+$0x0] =	vst.idx.msk $0xffff, v35;
	(pc) =	sbr.rel @!p2 .LBB2_17-.Ltmp9, $4  }
0x186: {  	v9 =	vor.u32 $0x33, v34;
	v50 =	vor.u32 $0x37, v25;
	v19 =	vor.u32 $0x3, v12;
	v42 =	vld.idx.msk [tilespmem:v11+s14+$0x0], $0xffff;
	[tilespmem:v21+s18+$0x0] =	vst.idx.msk $0xffff, v18  }
0x187: {  	v6 =	vor.u32 $0x1, v0;
	v29 =	vor.u32 $0x2, v0;
	v17 =	vor.u32 $0x3, v0;
	v39 =	vld.idx.msk [tilespmem:v23+s16+$0x0], $0xffff;
	[tilespmem:v28+s18+$0x0] =	vst.idx.msk $0xffff, v26  }
0x188: {  	v24 =	vor.u32 $0x37, v34;
	v35 =	vor.u32 $0x3B, v34;
	v18 =	vor.u32 $0x35, v34;
	v40 =	vld.idx.msk [tilespmem:v0+s16+$0x0], $0xffff;
	[tilespmem:v36+s18+$0x0] =	vst.idx.msk $0xffff, v14  }
0x189: {  	s9 =	simm.s32 $0x250;
	p0 =	por $0x1, $0x1;
	v21 =	vor.u32 $0x4, v0;
	v28 =	vor.u32 $0x4, v12;
	v26 =	vor.u32 $0x36, v34;
	v47 =	vld.idx.msk [tilespmem:v37+s16+$0x0], $0xffff  }
0x18a: {  	_ =	sdelay $0x2  }
0x18b: {  	v15 =	vld [tilespmem:s9+$0xFFFFFFF0]  }
0x18c: {  	v0 =	vld [tilespmem:s9+$0x0];
	[tilespmem:v50+s18+$0x0] =	vst.idx.msk $0xffff, v39  }
0x18d: {  	v11 =	vor.u32 $0x3, v32;
	v14 =	vor.u32 $0x33, v25;
	[tilespmem:v16+s18+$0x0] =	vst.idx.msk $0xffff, v42;
	v12 =	vld.idx.msk [tilespmem:v51+s14+$0x0], $0xffff  }
0x18e: {  	v34 =	vor.u32 $0x1, v23;
	s9 =	simm.s32 $0x450;
	v13 =	vld.idx.msk [tilespmem:v13+s16+$0x0], $0xffff  }
0x18f: {  	v16 =	vld [tilespmem:s9+$0xFFFFFFF0];
	[tilespmem:v24+s18+$0x0] =	vst.idx.msk $0xffff, v40  }
0x190: {  	v10 =	vld.idx.msk [tilespmem:v10+s14+$0x0], $0xffff;
	v36 =	vshll.u32 v15, $0x3  }
0x191: {  	s13 =	simm.s32 $0x40;
	v24 =	vld [tilespmem:s9+$0x0];
	[tilespmem:v52+s18+$0x0] =	vst.idx.msk $0xffff, v47  }
0x192: {  	v37 =	vmov s13;
	v11 =	vld.idx.msk [tilespmem:v11+s14+$0x0], $0xffff;
	v38 =	vshll.u32 v0, $0x3;
	v0 =	vor.u32 $0x35, v4;
	[tilespmem:v14+s18+$0x0] =	vst.idx.msk $0xffff, v12  }
0x193: {  	s11 =	simm.s32 $0x50;
	v54 =	vor.u32 $0x38, v25;
	v37 =	vshll.u32 v37, $0x6;
	[tilespmem:v8+s18+$0x0] =	vst.idx.msk $0xffff, v13;
	v12 =	vor.u32 $0x3, v22;
	v15 =	vld.idx.msk [tilespmem:v34+s16+$0x0], $0xffff  }
0x194: {  	v55 =	vor.u32 $0x2, v20;
	v43 =	vor.u32 v62, v37;
	v14 =	vmov s11;
	v63 =	vld.idx.msk [tilespmem:v58+s14+$0x0], $0xffff  }
0x195: {  	v44 =	vor.u32 $0x32, v43;
	v14 =	vshll.u32 v14, $0x6;
	[tilespmem:v9+s18+$0x0] =	vst.idx.msk $0xffff, v10;
	v42 =	vld.idx.msk [tilespmem:v36+s14+$0x0], $0xffff  }
0x196: {  	v14 =	vor.u32 v62, v14;
	v49 =	vld.idx.msk [tilespmem:v6+s16+$0x0], $0xffff  }
0x197: {  	v40 =	vld.idx.msk [tilespmem:v38+s14+$0x0], $0xffff;
	[tilespmem:v0+s18+$0x0] =	vst.idx.msk $0xffff, v11;
	v0 =	vor.u32 $0x32, v14  }
0x198: {  	v41 =	vor.u32 $0x3A, v4;
	v37 =	vld.idx.msk [tilespmem:v12+s16+$0x0], $0xffff;
	v12 =	vshll.u32 v24, $0x3;
	[tilespmem:v54+s18+$0x0] =	vst.idx.msk $0xffff, v15  }
0x199: {  	v56 =	vor.u32 $0x4, v32;
	v61 =	vor.u32 $0x34, v25;
	[tilespmem:v33+s18+$0x0] =	vst.idx.msk $0xffff, v63;
	v34 =	vld.idx.msk [tilespmem:v55+s14+$0x0], $0xffff  }
0x19a: {  	v46 =	vor.u32 $0x35, v43;
	v32 =	vor.u32 $0x3A, v43;
	v57 =	vshll.u32 v16, $0x3;
	[tilespmem:v44+s18+$0x0] =	vst.idx.msk $0xffff, v42  }
0x19b: {  	v52 =	vor.u32 $0x39, v25;
	v16 =	vor.u32 $0x34, v43;
	v51 =	vor.u32 $0x1, v38;
	[tilespmem:v48+s18+$0x0] =	vst.idx.msk $0xffff, v49  }
0x19c: {  	p2 =	por $0x1, $0x1;
	v8 =	vor.u32 $0x39, v43;
	v9 =	vor.u32 $0x33, v43;
	v55 =	vld.idx.msk [tilespmem:v59+s16+$0x0], $0xffff;
	[tilespmem:v0+s18+$0x0] =	vst.idx.msk $0xffff, v40;
	v0 =	vor.u32 $0x2, v23  }
.Ltmp10:
0x19d: {  	v50 =	vor.u32 $0x37, v14;
	v24 =	vor.u32 $0x37, v43;
	v15 =	vor.u32 $0x38, v43;
	v39 =	vld.idx.msk [tilespmem:v12+s16+$0x0], $0xffff;
	[tilespmem:v41+s18+$0x0] =	vst.idx.msk $0xffff, v37;
	(pc) =	sbr.rel @!p2 .LBB2_19-.Ltmp10, $4  }
0x19e: {  	v49 =	vor.u32 $0x36, v43;
	v37 =	vld.idx.msk [tilespmem:v56+s14+$0x0], $0xffff;
	[tilespmem:v61+s18+$0x0] =	vst.idx.msk $0xffff, v34;
	v34 =	vor.u32 $0x3B, v43;
	v43 =	vor.u32 $0x36, v4  }
0x19f: {  	v45 =	vor.u32 $0x3, v36;
	v13 =	vor.u32 $0x2, v57;
	v44 =	vor.u32 $0x4, v22;
	v40 =	vld.idx.msk [tilespmem:v57+s16+$0x0], $0xffff  }
0x1a0: {  	v10 =	vor.u32 $0x1, v36;
	v11 =	vor.u32 $0x2, v36;
	v6 =	vor.u32 $0x1, v57;
	v42 =	vld.idx.msk [tilespmem:v60+s14+$0x0], $0xffff  }
0x1a1: {  	s21 =	simm.s32 $0x270;
	p1 =	por $0x1, $0x1;
	s13 =	simm.s32 $0x4;
	v36 =	vor.u32 $0x4, v36;
	v48 =	vor.u32 $0x4, v57;
	v41 =	vor.u32 $0x3, v57;
	v47 =	vld.idx.msk [tilespmem:v0+s16+$0x0], $0xffff  }
.LBB2_20:
0x1a2: {  	v0 =	vld [tilespmem:s21+$0x0];
	[tilespmem:v50+s18+$0x0] =	vst.idx.msk $0xffff, v39;
	v33 =	vor.u32 $0x3, v20;
	v22 =	vmovc v1;
	v1 =	vmov v35;
	v35 =	vmov v34  }
0x1a3: {  	s13 =	sadd.s32 $0x2, s13;
	v34 =	vld.idx.msk [tilespmem:v51+s14+$0x0], $0xffff;
	[tilespmem:v43+s18+$0x0] =	vst.idx.msk $0xffff, v37  }
0x1a4: {  	p2 =	slt.u32 s13, $0x1E;
	[tilespmem:v24+s18+$0x0] =	vst.idx.msk $0xffff, v40;
	v24 =	vor.u32 $0x33, v14;
	v37 =	vld.idx.msk [tilespmem:v44+s16+$0x0], $0xffff  }
0x1a5: {  	v40 =	vor.u32 $0x1, v12;
	v39 =	vld [tilespmem:s21+$0xFFFFFFF0];
	[tilespmem:v31+s18+$0x0] =	vst.idx.msk $0xffff, v42;
	v42 =	vor.u32 $0x3B, v4;
	v4 =	vmovc v25;
	v25 =	vmovc v14;
	v31 =	vmov v16  }
0x1a6: {  	v14 =	vld.idx.msk [tilespmem:v10+s14+$0x0], $0xffff;
	[tilespmem:v52+s18+$0x0] =	vst.idx.msk $0xffff, v47  }
0x1a7: {  	v16 =	vld.idx.msk [tilespmem:v33+s14+$0x0], $0xffff;
	[tilespmem:v2+s18+$0x0] =	vst.idx.msk $0xffff, v55;
	v2 =	vmov v30;
	v30 =	vmov v32  }
0x1a8: {  	s9 =	sadd.s32 $0x20, s9;
	v0 =	vshll.u32 v0, $0x3;
	v33 =	vor.u32 $0x35, v4;
	v32 =	vld.idx.msk [tilespmem:v29+s16+$0x0], $0xffff;
	v29 =	vmov v13  }
0x1a9: {  	v13 =	vld [tilespmem:s9+$0x0];
	[tilespmem:v24+s18+$0x0] =	vst.idx.msk $0xffff, v34;
	v24 =	vor.u32 $0x3, v23  }
0x1aa: {  	s11 =	sadd.s32 $0x20, s11;
	v34 =	vshll.u32 v39, $0x3;
	v39 =	vld.idx.msk [tilespmem:v40+s16+$0x0], $0xffff;
	[tilespmem:v42+s18+$0x0] =	vst.idx.msk $0xffff, v37  }
0x1ab: {  	s25 =	sadd.s32 $0xFFFFFFF0, s11;
	v40 =	vmov s11;
	v42 =	vor.u32 $0x38, v25;
	v37 =	vld [tilespmem:s9+$0xFFFFFFF0];
	v10 =	vor.u32 $0x1, v34  }
0x1ac: {  	v43 =	vmov s25;
	v44 =	vor.u32 $0x2, v38;
	v40 =	vshll.u32 v40, $0x6;
	[tilespmem:v9+s18+$0x0] =	vst.idx.msk $0xffff, v14;
	v47 =	vld.idx.msk [tilespmem:v3+s14+$0x0], $0xffff;
	v3 =	vmovc v28;
	v28 =	vmovc v36  }
0x1ad: {  	v52 =	vor.u32 $0x2, v34;
	v9 =	vshll.u32 v43, $0x6;
	v14 =	vor.u32 v62, v40;
	v36 =	vld.idx.msk [tilespmem:v0+s14+$0x0], $0xffff;
	[tilespmem:v33+s18+$0x0] =	vst.idx.msk $0xffff, v16  }
0x1ae: {  	v40 =	vor.u32 $0x3, v34;
	v33 =	vor.u32 v62, v9;
	v43 =	vor.u32 $0x32, v14;
	[tilespmem:v27+s18+$0x0] =	vst.idx.msk $0xffff, v32;
	v50 =	vld.idx.msk [tilespmem:v24+s16+$0x0], $0xffff  }
0x1af: {  	v55 =	vor.u32 $0x3A, v4;
	v53 =	vor.u32 $0x32, v33;
	v54 =	vshll.u32 v13, $0x3;
	v27 =	vmovc v8;
	v51 =	vld.idx.msk [tilespmem:v34+s14+$0x0], $0xffff  }
0x1b0: {  	v24 =	vor.u32 $0x37, v33;
	v56 =	vshll.u32 v37, $0x3;
	v57 =	vld.idx.msk [tilespmem:v6+s16+$0x0], $0xffff;
	[tilespmem:v42+s18+$0x0] =	vst.idx.msk $0xffff, v39;
	v37 =	vor.u32 $0x4, v20;
	v20 =	vmovc v38  }
0x1b1: {  	v9 =	vor.u32 $0x33, v33;
	v42 =	vor.u32 $0x38, v33;
	v38 =	vmovc v0;
	v6 =	vor.u32 $0x1, v56;
	v44 =	vld.idx.msk [tilespmem:v44+s14+$0x0], $0xffff  }
0x1b2: {  	v16 =	vor.u32 $0x34, v33;
	v0 =	vor.u32 $0x34, v25;
	v13 =	vor.u32 $0x2, v56;
	v58 =	vld.idx.msk [tilespmem:v19+s14+$0x0], $0xffff;
	[tilespmem:v5+s18+$0x0] =	vst.idx.msk $0xffff, v47;
	v19 =	vmovc v45  }
0x1b3: {  	v8 =	vor.u32 $0x39, v33;
	v59 =	vor.u32 $0x35, v33;
	v47 =	vor.u32 $0x2, v12;
	v45 =	vmovc v40;
	[tilespmem:v43+s18+$0x0] =	vst.idx.msk $0xffff, v36;
	v60 =	vld.idx.msk [tilespmem:v7+s16+$0x0], $0xffff  }
0x1b4: {  	v32 =	vor.u32 $0x3A, v33;
	v61 =	vor.u32 $0x3, v56;
	v5 =	vmovc v26;
	v36 =	vor.u32 $0x4, v34;
	v39 =	vld.idx.msk [tilespmem:v54+s16+$0x0], $0xffff;
	[tilespmem:v55+s18+$0x0] =	vst.idx.msk $0xffff, v50  }
.Ltmp11:
0x1b5: {  	v26 =	vmovc v49;
	v49 =	vor.u32 $0x36, v33;
	v50 =	vor.u32 $0x37, v14;
	[tilespmem:v53+s18+$0x0] =	vst.idx.msk $0xffff, v51;
	v53 =	vor.u32 $0x4, v56;
	v37 =	vld.idx.msk [tilespmem:v37+s14+$0x0], $0xffff;
	(pc) =	sbr.rel @p2 .LBB2_20-.Ltmp11, $4  }
0x1b6: {  	v34 =	vor.u32 $0x3B, v33;
	v43 =	vor.u32 $0x36, v4;
	v51 =	vor.u32 $0x1, v38;
	v40 =	vld.idx.msk [tilespmem:v56+s16+$0x0], $0xffff;
	[tilespmem:v15+s18+$0x0] =	vst.idx.msk $0xffff, v57;
	v15 =	vmovc v42  }
0x1b7: {  	v42 =	vld.idx.msk [tilespmem:v11+s14+$0x0], $0xffff;
	[tilespmem:v0+s18+$0x0] =	vst.idx.msk $0xffff, v44;
	v44 =	vor.u32 $0x4, v23;
	v11 =	vmovc v52;
	v23 =	vmov v12;
	v12 =	vmov v54  }
0x1b8: {  	v7 =	vmovc v21;
	v21 =	vmov v48;
	v47 =	vld.idx.msk [tilespmem:v47+s16+$0x0], $0xffff;
	[tilespmem:v18+s18+$0x0] =	vst.idx.msk $0xffff, v58;
	v18 =	vmov v46;
	v46 =	vmov v59  }
0x1b9: {  	s21 =	sadd.s32 $0x20, s21;
	v48 =	vmovc v53;
	v52 =	vor.u32 $0x39, v25;
	v55 =	vld.idx.msk [tilespmem:v17+s16+$0x0], $0xffff;
	[tilespmem:v22+s18+$0x0] =	vst.idx.msk $0xffff, v60;
	v17 =	vmov v41;
	v41 =	vmov v61  }
0x1ba: {  	v60 =	vmovc v1;
	v0 =	vmov v4;
	v61 =	vmov v2;
	v62 =	vmov v3  }
0x1bb: {  	v57 =	vmovc v20;
	v1 =	vmovc v34;
	v53 =	vmov v31;
	v4 =	vmov v25;
	v25 =	vmov v5  }
0x1bc: {  	v63 =	vmovc v30;
	v2 =	vmovc v32;
	v54 =	vmov v29;
	v22 =	vmov v23;
	v32 =	vmov v38  }
0x1bd: {  	v38 =	vmovc v28;
	v3 =	vmovc v36;
	v56 =	vmov v27;
	v27 =	vmov v7;
	v36 =	vmov v19  }
0x1be: {  	v58 =	vmovc v45;
	v45 =	vmovc v26;
	v5 =	vmov v49;
	v49 =	vmov v18;
	v33 =	vmov v46  }
0x1bf: {  	v46 =	vmovc v21;
	v7 =	vmovc v48;
	v34 =	vmov v17;
	v59 =	vmov v41;
	v23 =	vmov v0  }
.LBB2_22:
0x1c0: {  	_ =	sdelay $0x3  }
0x1c1: {  	[tilespmem:v50+s18+$0x0] =	vst.idx.msk $0xffff, v39  }
0x1c2: {  	v17 =	vor.u32 $0x33, v14;
	v0 =	vld.idx.msk [tilespmem:v51+s14+$0x0], $0xffff  }
0x1c3: {  	[tilespmem:v24+s18+$0x0] =	vst.idx.msk $0xffff, v40;
	v18 =	vor.u32 $0x1, v12  }
0x1c4: {  	v10 =	vld.idx.msk [tilespmem:v10+s14+$0x0], $0xffff;
	_ =	sdelay $0x2  }
0x1c5: {  	[tilespmem:v17+s18+$0x0] =	vst.idx.msk $0xffff, v0  }
0x1c6: {  	v39 =	vor.u32 $0x38, v14;
	v0 =	vld.idx.msk [tilespmem:v18+s16+$0x0], $0xffff  }
0x1c7: {  	v40 =	vor.u32 $0x2, v32;
	[tilespmem:v9+s18+$0x0] =	vst.idx.msk $0xffff, v10  }
0x1c8: {  	v6 =	vld.idx.msk [tilespmem:v6+s16+$0x0], $0xffff;
	_ =	sdelay $0x2  }
0x1c9: {  	[tilespmem:v39+s18+$0x0] =	vst.idx.msk $0xffff, v0  }
0x1ca: {  	v41 =	vor.u32 $0x34, v14;
	[tilespmem:v53+s18+$0x0] =	vst.idx.msk @p0 $0xffff, v42;
	v0 =	vld.idx.msk [tilespmem:v40+s14+$0x0], $0xffff  }
0x1cb: {  	v48 =	vor.u32 $0x2, v12;
	[tilespmem:v15+s18+$0x0] =	vst.idx.msk $0xffff, v6;
	v15 =	vld.idx.msk @p0 [tilespmem:v54+s16+$0x0], $0xffff  }
0x1cc: {  	v10 =	vld.idx.msk [tilespmem:v11+s14+$0x0], $0xffff;
	v11 =	vor.u32 @p0 $0x3, v57;
	_ =	sdelay $0x2  }
0x1cd: {  	[tilespmem:v41+s18+$0x0] =	vst.idx.msk $0xffff, v0  }
0x1ce: {  	v50 =	vor.u32 $0x39, v14;
	[tilespmem:v52+s18+$0x0] =	vst.idx.msk @p0 $0xffff, v47;
	v0 =	vld.idx.msk [tilespmem:v48+s16+$0x0], $0xffff  }
0x1cf: {  	v51 =	vor.u32 $0x3, v32;
	[tilespmem:v56+s18+$0x0] =	vst.idx.msk @p0 $0xffff, v15;
	v11 =	vld.idx.msk @p0 [tilespmem:v11+s14+$0x0], $0xffff  }
0x1d0: {  	[tilespmem:v16+s18+$0x0] =	vst.idx.msk $0xffff, v10;
	v16 =	vld.idx.msk @p0 [tilespmem:v36+s14+$0x0], $0xffff  }
0x1d1: {  	v10 =	vld.idx.msk [tilespmem:v13+s16+$0x0], $0xffff;
	v13 =	vor.u32 @p0 $0x35, v4  }
0x1d2: {  	v15 =	vor.u32 @p0 $0x3, v22  }
0x1d3: {  	[tilespmem:v50+s18+$0x0] =	vst.idx.msk $0xffff, v0  }
0x1d4: {  	v0 =	vld.idx.msk [tilespmem:v51+s14+$0x0], $0xffff  }
0x1d5: {  	v53 =	vor.u32 $0x35, v14;
	[tilespmem:v49+s18+$0x0] =	vst.idx.msk @p0 $0xffff, v16  }
0x1d6: {  	[tilespmem:v13+s18+$0x0] =	vst.idx.msk @p0 $0xffff, v11  }
0x1d7: {  	[tilespmem:v8+s18+$0x0] =	vst.idx.msk $0xffff, v10;
	v11 =	vor.u32 @p0 $0x3A, v4;
	v10 =	vld.idx.msk @p0 [tilespmem:v15+s16+$0x0], $0xffff  }
0x1d8: {  	v13 =	vmov @p0 v63;
	v16 =	vld.idx.msk @p0 [tilespmem:v34+s16+$0x0], $0xffff;
	v15 =	vor.u32 @p0 $0x4, v57  }
0x1d9: {  	v17 =	vmov @p0 v38;
	v54 =	vor.u32 $0x3, v12;
	v13 =	vpsel p0, v13, v0  }
0x1da: {  	[tilespmem:v53+s18+$0x0] =	vst.idx.msk $0xffff, v0;
	v0 =	vpsel p0, v17, v0  }
0x1db: {  	v56 =	vld.idx.msk [tilespmem:v58+s14+$0x0], $0xffff  }
0x1dc: {  	[tilespmem:v11+s18+$0x0] =	vst.idx.msk @p0 $0xffff, v10  }
0x1dd: {  	[tilespmem:v61+s18+$0x0] =	vst.idx.msk @p1 $0xffff, v55;
	v10 =	vld.idx.msk @p0 [tilespmem:v15+s14+$0x0], $0xffff;
	v15 =	vpsel p0, v16, v0  }
0x1de: {  	v19 =	vor.u32 @p0 $0x4, v22;
	v57 =	vor.u32 $0x3A, v14;
	v11 =	vor.u32 @p0 $0x36, v4;
	v6 =	vld.idx.msk [tilespmem:v54+s16+$0x0], $0xffff;
	v16 =	vmovc @p0 v45;
	[tilespmem:v13+s18+$0x0] =	vst.idx.msk @p0 $0xffff, v15  }
0x1df: {  	v11 =	vpsel p0, v11, v0;
	v13 =	vpsel p0, v19, v0;
	v15 =	vpsel p0, v16, v0;
	v0 =	vld.idx.msk @p0 [tilespmem:v0+s14+$0x0], $0xffff  }
0x1e0: {  	v18 =	vld.idx.msk @p1 [tilespmem:v62+s14+$0x0], $0xffff;
	[tilespmem:v33+s18+$0x0] =	vst.idx.msk $0xffff, v56  }
0x1e1: {  	v58 =	vor.u32 $0x4, v32;
	v61 =	vld.idx.msk [tilespmem:v59+s16+$0x0], $0xffff;
	_ =	sdelay $0x1  }
0x1e2: {  	v20 =	vmov @p0 v46  }
0x1e3: {  	[tilespmem:v57+s18+$0x0] =	vst.idx.msk $0xffff, v6;
	v6 =	vpsel p0, v20, v0  }
0x1e4: {  	[tilespmem:v25+s18+$0x0] =	vst.idx.msk @p1 $0xffff, v18  }
0x1e5: {  	v62 =	vor.u32 $0x36, v14;
	[tilespmem:v2+s18+$0x0] =	vst.idx.msk $0xffff, v61;
	v8 =	vld.idx.msk [tilespmem:v58+s14+$0x0], $0xffff;
	v10 =	vpsel p0, v10, v0  }
0x1e6: {  	v18 =	vmov @p0 v35;
	v2 =	vor.u32 $0x4, v12;
	v3 =	vld.idx.msk [tilespmem:v3+s14+$0x0], $0xffff;
	v4 =	vpsel p0, v4, v0;
	[tilespmem:v11+s18+$0x0] =	vst.idx.msk @p0 $0xffff, v10  }
0x1e7: {  	[tilespmem:v15+s18+$0x0] =	vst.idx.msk @p0 $0xffff, v0;
	v10 =	vpsel p0, v18, v0;
	v4 =	vor.u32 @p0 $0x3B, v4;
	v11 =	vld.idx.msk @p0 [tilespmem:v13+s16+$0x0], $0xffff  }
0x1e8: {  	v0 =	vmov @p0 v10;
	v6 =	vld.idx.msk @p0 [tilespmem:v6+s16+$0x0], $0xffff  }
0x1e9: {  	[tilespmem:v43+s18+$0x0] =	vst.idx.msk @p1 $0xffff, v37;
	v17 =	vmov @p1 v60;
	v19 =	vld.idx.msk @p1 [tilespmem:v27+s16+$0x0], $0xffff  }
0x1ea: {  	v16 =	vor.u32 @p1 $0x3B, v23;
	v12 =	vld.idx.msk @p1 [tilespmem:v44+s16+$0x0], $0xffff;
	[tilespmem:v62+s18+$0x0] =	vst.idx.msk $0xffff, v8  }
0x1eb: {  	v63 =	vor.u32 $0x3B, v14;
	[tilespmem:v5+s18+$0x0] =	vst.idx.msk $0xffff, v3;
	v2 =	vld.idx.msk [tilespmem:v2+s16+$0x0], $0xffff  }
0x1ec: {  	s23 =	sadd.s32 $0x1, s23;
	v3 =	vld.idx.msk [tilespmem:v7+s16+$0x0], $0xffff;
	[tilespmem:v4+s18+$0x0] =	vst.idx.msk @p0 $0xffff, v11  }
0x1ed: {  	[tilespmem:v0+s18+$0x0] =	vst.idx.msk @p0 $0xffff, v6;
	p0 =	sne.s32 s23, $0x19  }
.Ltmp12:
0x1ee: {  	[tilespmem:v17+s18+$0x0] =	vst.idx.msk @p1 $0xffff, v19;
	(pc) =	sbr.rel @p0 .LBB2_2-.Ltmp12, $4  }
.Ltmp13:
0x1ef: {  	s8 =	sshll.u32 s8, $0x3;
	[tilespmem:v16+s18+$0x0] =	vst.idx.msk @p1 $0xffff, v12;
	(pc) =	sbr.rel @!p0 .LBB2_23-.Ltmp13, $4  }
0x1f0: {  	s8 =	sand.u32 $0x1FFFF000, s8;
	[tilespmem:v63+s18+$0x0] =	vst.idx.msk $0xffff, v2  }
0x1f1: {  	s8 =	sadd.s32 s10, s8;
	[tilespmem:v1+s18+$0x0] =	vst.idx.msk $0xffff, v3  }
0x1f2: {  	[hbm4b:s8+s3] =	stream.linear.scatter [tilespmem:s18], [sflag:$0x3], $0x8000, $0x38;
	v0 =	vld [tilespmem:$0x1FFF0]  }
0x1f3: {  	_ = 	snop  }
.LBB2_5:
.Ltmp14:
0x1f4: {  	(pc) =	sbr.rel .LBB2_12-.Ltmp14, $2  }
0x1f5: {  	_ =	sdelay $0x2  }
0x1f6: {  	v14 =	vmov v4;
	v12 =	vmov v22  }
.LBB2_15:
.Ltmp15:
0x1f7: {  	(pc) =	sbr.rel .LBB2_22-.Ltmp15, $2  }
0x1f8: {  	_ =	sdelay $0x2  }
0x1f9: {  	v14 =	vmov v4;
	v12 =	vmov v22  }
.LBB2_7:
0x1fa: {  	v57 =	vmovc v32;
	v0 =	vmov v1;
	v53 =	vmov v16;
	v63 =	vmov v2  }
.Ltmp16:
0x1fb: {  	v54 =	vmovc v13;
	v38 =	vmovc v3;
	v56 =	vmov v8;
	v36 =	vmov v58;
	v45 =	vmov v5;
	(pc) =	sbr.rel .LBB2_12-.Ltmp16, $4  }
0x1fc: {  	v49 =	vmovc v33;
	v46 =	vmovc v61;
	v34 =	vmov v59;
	v1 =	vmov v35;
	v14 =	vmov v25  }
0x1fd: {  	v12 =	vmovc v23;
	v16 =	vmovc v31;
	v2 =	vmov v30;
	v13 =	vmov v29;
	v32 =	vmov v20  }
0x1fe: {  	v3 =	vmovc v28;
	v8 =	vmovc v27;
	v58 =	vmov v21;
	v5 =	vmov v26;
	v11 =	vmov v48  }
0x1ff: {  	v15 =	vmovc v60;
	v33 =	vmovc v19;
	v48 =	vmov v7;
	v59 =	vmov v18;
	v35 =	vmov v0  }
.LBB2_17:
0x200: {  	v57 =	vmovc v32;
	v0 =	vmov v1;
	v53 =	vmov v16;
	v63 =	vmov v2  }
.Ltmp17:
0x201: {  	v54 =	vmovc v13;
	v38 =	vmovc v3;
	v56 =	vmov v8;
	v36 =	vmov v58;
	v45 =	vmov v5;
	(pc) =	sbr.rel .LBB2_22-.Ltmp17, $4  }
0x202: {  	v49 =	vmovc v33;
	v46 =	vmovc v7;
	v34 =	vmov v59;
	v1 =	vmov v35;
	v14 =	vmov v25  }
0x203: {  	v12 =	vmovc v23;
	v16 =	vmovc v31;
	v2 =	vmov v30;
	v13 =	vmov v29;
	v32 =	vmov v20  }
0x204: {  	v3 =	vmovc v28;
	v8 =	vmovc v27;
	v58 =	vmov v19;
	v5 =	vmov v26;
	v15 =	vmov v48  }
0x205: {  	v11 =	vmovc v60;
	v33 =	vmovc v18;
	v7 =	vmov v21;
	v59 =	vmov v17;
	v35 =	vmov v0  }
.LBB2_9:
0x206: {  	v60 =	vmov v1;
	v0 =	vmov v4  }
0x207: {  	v61 =	vmovc v2;
	v62 =	vmovc v3;
	v57 =	vmov v20;
	v1 =	vmov v34;
	v53 =	vmov v31  }
.Ltmp18:
0x208: {  	v4 =	vmovc v25;
	v25 =	vmovc v5;
	v63 =	vmov v30;
	v2 =	vmov v32;
	v54 =	vmov v29;
	(pc) =	sbr.rel .LBB2_12-.Ltmp18, $4  }
0x209: {  	v22 =	vmovc v23;
	v32 =	vmovc v38;
	v38 =	vmov v28;
	v3 =	vmov v36;
	v56 =	vmov v27  }
0x20a: {  	v36 =	vmovc v21;
	v21 =	vmovc v8;
	v58 =	vmov v45;
	v45 =	vmov v26;
	v5 =	vmov v49  }
0x20b: {  	v49 =	vmovc v19;
	v33 =	vmovc v46;
	v46 =	vmov v6;
	v34 =	vmov v18;
	v59 =	vmov v41  }
0x20c: {  	v6 =	vmovc v7;
	v8 =	vmovc v10;
	v10 =	vmov v11;
	v11 =	vmov v17;
	v23 =	vmov v0  }
.LBB2_19:
0x20d: {  	v60 =	vmovc v1;
	v0 =	vmov v4;
	v61 =	vmov v2;
	v62 =	vmov v3  }
.Ltmp19:
0x20e: {  	v57 =	vmovc v20;
	v1 =	vmovc v34;
	v53 =	vmov v31;
	v4 =	vmov v25;
	v25 =	vmov v5;
	(pc) =	sbr.rel .LBB2_22-.Ltmp19, $4  }
0x20f: {  	v63 =	vmovc v30;
	v2 =	vmovc v32;
	v54 =	vmov v29;
	v22 =	vmov v23;
	v32 =	vmov v38  }
0x210: {  	v38 =	vmovc v28;
	v3 =	vmovc v36;
	v56 =	vmov v27;
	v27 =	vmov v7;
	v36 =	vmov v19  }
0x211: {  	v58 =	vmovc v45;
	v45 =	vmovc v26;
	v5 =	vmov v49;
	v49 =	vmov v18;
	v33 =	vmov v46  }
0x212: {  	v46 =	vmovc v21;
	v7 =	vmovc v48;
	v34 =	vmov v17;
	v59 =	vmov v41;
	v23 =	vmov v0  }
.LBB2_24:
0x213: {  	_ =	sfence.sel $0x180000  }
0x214: {  	[bflag:$0x0] =	sbarrier.arrive $0xFFFF  }
0x215: {  	_ =	strace $0x90000047  }
0x216: {  	s0 =	stileid.u32;
	[bflag:$0x2] =	sbarrier.arrive $0xFFFF  }
0x217: {  	p0 =	sne.s32 s0, $0x0;
	s0 =	rddreg [dreg:$0x2]  }
0x218: {  	s0 =	sadd.s32 @!p0 $0x100000, s0  }
0x219: {  	[sflag:s0] =	ssyncadd.tile.s32 @!p0 $0x1;
	_ =	shalt  }
.Lfunc_end2:
_tile_overlayer_lowered:
.L_overlay_start_2:
0x21a: {  	(tag) =	ssettag $0x2  }
0x21b: {  	s0 =	rddreg [dreg:$0x0];
	s2 =	stileid.u32  }
0x21c: {  	s1 =	rddreg [dreg:$0x1];
	p0 =	sne.s32 s2, $0x0  }
0x21d: {  	s3 =	rddreg [dreg:$0x2];
	[bflag:$0x3] =	sbarrier.arrive $0xFFFF;
	s2 =	simm.s32 @!p0 $0x1C04  }
0x21e: {  	[timem:s3], [sflag:s2] =	dma.local @!p0 [hbm:s0], s1  }
0x21f: {  	s0 =	simm.s32 @!p0 $0x4  }
0x220: {  	_ =	swait.ge @!p0 [sflag:s0], s1  }
0x221: {  	s1 =	ssub.s32 @!p0 $0x0, s1;
	[sflag:s0] =	ssyncset.done @!p0 $0x0  }
0x222: {  	[sflag:s0] =	ssyncadd.s32 @!p0 s1  }
0x223: {  	[bflag:$0x3] =	sbarrier.arrive $0xFFFF  }
0x224: {  	_ =	shalt  }

// kernel: sparse-core-data-format-call.cloned.1.call-start
scs
called_computation_lowered:
.L_overlay_start_0:
0x0: {  	s2 =	sld [smem:$0x3FD9]  }
0x1: {  	s3 =	sld [smem:$0x3FFE];
	_ =	sdelay $0x1  }
0x2: {  	s1 =	srdreg.scid  }
0x3: {  	s0 =	sand.u32 $0x1, s1  }
0x4: {  	s18 =	sshll.u32 s0, $0xA;
	s2 =	sadd.s32 s3, s2  }
0x5: {  	s2 =	sadd.s32 s2, s18  }
0x6: {  	[smem:$0x3FC2] =	sst s2  }
0x7: {  	_ = 	snop  }
0x8: {  	s2 =	sld [smem:$0x3FD0];
	(tm) =	ssettm $0x1  }
0x9: {  	s19 =	sld [smem:$0x3FFB];
	_ =	sdelay $0x3  }
0xa: {  	_ =	strace s19  }
0xb: {  	s3 =	sld [smem:$0x3FFC];
	_ =	sdelay $0x3  }
0xc: {  	_ =	strace s3  }
0xd: {  	s3 =	sld [smem:$0x3FFD];
	_ =	sdelay $0x3  }
0xe: {  	_ =	strace s3  }
0xf: {  	_ =	strace $0x8FFFFFFF  }
0x10: {  	s20 =	sld [smem:$0x3FDB];
	_ =	sdelay $0x1  }
0x11: {  	s4 =	simm.s32 $_scs_section_size  }
0x12: {  	s5 =	simm.s32 $_size__tile_overlayer_lowered;
	s6 =	simm.s32 $_tile_overlayer_lowered  }
0x13: {  	s23 =	simm.s32 $0x1BFF;
	s22 =	sshll.u32 s6, $0x1;
	s3 =	sadd.s32 s4, s20  }
0x14: {  	s7 =	simm.s32 $0x0;
	s21 =	sshll.u32 s5, $0x1;
	s5 =	sadd.s32 s22, s3  }
0x15: {  	[timem:s7], [sflag:s23] =	dma.local [hbm:s5], s21  }
0x16: {  	_ =	swait.ge [sflag:s23], s21  }
0x17: {  	s4 =	ssub.s32 $0x0, s21;
	[sflag:s23] =	ssyncset.done $0x0  }
0x18: {  	[sflag:s23] =	ssyncadd.s32 s4;
	_ =	sdelay $0x1  }
0x19: {  	s24 =	simm.s32 $0x1B8B  }
0x1a: {  	_ =	swait.ge [sflag:s24], $0x1  }
0x1b: {  	[sflag:s24] =	ssyncset.done $0x0  }
0x1c: {  	s26 =	simm.s32 $0x1B8E;
	s25 =	sld [smem:$0x3FFE];
	[sflag:s24] =	ssyncadd.s32 $0xFFFFFFFF  }
0x1d: {  	s27 =	simm.s32 $execute0_lowered;
	[smem:$0x3FD2] =	sst s26  }
0x1e: {  	s5 =	sshll.u32 s27, $0x1;
	_ =	strace $0x80000049;
	[dreg:$0x1] =	wrdreg $0xFFFFFFFF  }
0x1f: {  	s28 =	simm.s32 $_size_execute0_lowered;
	s3 =	sadd.s32 s3, s5;
	[dreg:$0x0] =	wrdreg $0x0  }
0x20: {  	s5 =	sshll.u32 s28, $0x1;
	[dreg:$0x2] =	wrdreg s3  }
0x21: {  	[dreg:$0x3] =	wrdreg s5  }
0x22: {  	[dreg:$0x4] =	wrdreg $0xC0  }
0x23: {  	_ =	task [dreg:s7], $0x5FFFF  }
0x24: {  	[dreg:$0x1] =	wrdreg $0xFFFFFFFF  }
0x25: {  	[dreg:$0x0] =	wrdreg $0x60  }
0x26: {  	[dreg:$0x2] =	wrdreg s25  }
0x27: {  	[dreg:$0x3] =	wrdreg s2  }
0x28: {  	[dreg:$0x4] =	wrdreg $0x9  }
0x29: {  	_ =	task.clear_ibuf [dreg:s7], $0x5FFFF;
	_ =	strace $0x90000049  }
0x2a: {  	s29 =	simm.s32 $0x9;
	_ =	strace $0x8000004B  }
0x2b: {  	_ =	swait.ge [sflag:s29], $0x1  }
0x2c: {  	[sflag:s29] =	ssyncadd.s32 $0xFFFFFFFF  }
0x2d: {  	_ =	strace $0x9000004B  }
0x2e: {  	_ =	sfence  }
0x2f: {  	s30 =	sld [smem:$0x0];
	_ =	sdelay $0x2  }
0x30: {  	s31 =	sshll.u32 s1, $0xD;
	s1 =	sshrl.u32 s1, $0x2  }
0x31: {  	s3 =	sand.u32 $0x4000, s31;
	s1 =	sadd.s32 s1, s30  }
0x32: {  	s0 =	sor.u32 s3, s0;
	s1 =	sshll.u32 s1, $0x11  }
0x33: {  	s0 =	sor.u32 s1, s0  }
0x34: {  	s0 =	sadd.s32 $0x8F2B, s0  }
0x35: {  	[sflag:s0] =	ssyncadd.remote.s32 $0x1  }
0x36: {  	_ =	sfence.sel $0xFFFF  }
0x37: {  	[dreg:$0x0] =	wrdreg $0xFFFFFFFF;
	(pc) =	sbr.abs _section_cstart, $3  }
0x38: {  	[dreg:$0x1] =	wrdreg $0xFFFFFFFF  }
0x39: {  	_ =	task.clear_ibuf [dreg:s7], $0x2FFFF;
	_ =	strace $0x9FFFFFFF  }
0x3a: {  	(tm) =	ssettm $0x7FFFFFFF  }
0x3b: {  	_ =	shalt  }
tec
execute0_lowered:
.L_overlay_start_1:
0x0: {  	(tag) =	ssettag $0x1  }
0x1: {  	s0 =	srdreg.scid  }
0x2: {  	s1 =	sshll.u32 s0, $0x4  }
0x3: {  	s6 =	rddreg [dreg:$0x0];
	s0 =	stileid.u32;
	s1 =	sand.u32 $0x10, s1  }
0x4: {  	s3 =	rddreg [dreg:$0x1];
	s1 =	sor.u32 s0, s1  }
0x5: {  	s5 =	simm.s32 $0x1;
	s31 =	simm.s32 $0x2;
	s2 =	sshll.u32 s1, $0x7  }
0x6: {  	s15 =	simm.s32 $0x0;
	s8 =	simm.s32 $0xC8000;
	s4 =	ssub.s32 $0x1000, s2  }
0x7: {  	s14 =	simm.s32 $0x0;
	s9 =	simm.s32 $0x0;
	s30 =	sand.u32 $0xF80, s4  }
0x8: {  	s10 =	simm.s32 $0x0;
	s11 =	simm.s32 $0x0;
	p0 =	sne.s32 s30, $0x0  }
.Ltmp0:
0x9: {  	s7 =	sshrl.u32 s4, $0xC;
	s5 =	simm.s32 @!p0 $0x0;
	(pc) =	sbr.rel .LBB1_1-.Ltmp0, $4  }
0xa: {  	s13 =	simm.s32 $0x0;
	s1 =	rddreg [dreg:$0x2];
	s5 =	sadd.s32 s5, s7  }
0xb: {  	_ =	strace $0x8000004A;
	s4 =	simm.s32 $0x1;
	s5 =	smul.u32 $0xC8, s5  }
0xc: {  	s6 =	sadd.s32 $0x68D800, s6;
	s12 =	smov.u32 s2;
	[sflag:s4] =	ssyncpa.u1 $0x0  }
0xd: {  	[sflag:s31] =	ssyncpa.u1 $0x0;
	p0 =	por $0x0, $0x0;
	s7 =	sor.u32 $0x1, s5  }
.LBB1_4:
0xe: {  	s18 =	sshll.u32 s9, $0xC;
	s19 =	sand.u32 $0x78, s10;
	s20 =	sshll.u32 s10, $0x3  }
0xf: {  	s22 =	sshll.u32 s9, $0x7;
	p1 =	sgt.s32 s9, $0xC7;
	s25 =	sshra.s32 s9, $0x1F  }
0x10: {  	s23 =	smov.u32 s10;
	s24 =	sshra.s32 s10, $0x1F;
	s29 =	sand.u32 $0x7, s10  }
0x11: {  	s18 =	sand.u32 $0xFFFF8000, s18;
	s21 =	sand.u32 $0xFFFFFC00, s20;
	s20 =	sand.u32 $0xC00, s20  }
0x12: {  	s30 =	sand.u32 $0x380, s22;
	s22 =	sand.u32 s25, s9;
	s18 =	sadd.s32 s21, s18  }
0x13: {  	s19 =	sor.u32 s19, s20;
	s20 =	smov.u32 s9;
	s18 =	sshrl.u32 s18, $0xC  }
0x14: {  	s20 =	simm.s32 @!p1 $0xC7;
	p1 =	sgt.s32 s10, $0xF80;
	s31 =	smulhi.u32 $0x147AE15, s18  }
0x15: {  	s26 =	sand.u32 s24, s10;
	s20 =	ssub.s32 s20, s22;
	s23 =	simm.s32 @!p1 $0xF80  }
0x16: {  	s27 =	ssub.s32 $0xC8, s20;
	s22 =	ssub.s32 s23, s26;
	s21 =	smul.u32 $0xC8, s31  }
0x17: {  	s20 =	sadd.s32 $0xFFFFFF39, s20;
	s23 =	smul.u32 $0x3C, s27;
	s28 =	sadd.s32 $0xFFFFF080, s22  }
0x18: {  	p1 =	sgt.s32 s20, $0x0;
	s20 =	ssub.s32 $0x1000, s22;
	p2 =	sgt.s32 s28, $0x7F  }
0x19: {  	s19 =	sor.u32 s30, s19;
	s23 =	simm.s32 @p1 $0x0;
	s20 =	simm.s32 @p2 $0x0  }
0x1a: {  	[tilespmem:s17+$0x810 ss:$0x81] =	vst.msk $0xffff, v2;
	s19 =	sshrl.u32 s19, $0x3;
	s18 =	ssub.s32 s18, s21;
	s20 =	smul.u32 s20, s23  }
0x1b: {  	[tilespmem:s17+$0x1020 ss:$0x81] =	vst.msk $0xffff, v0;
	s19 =	sadd.s32 s3, s19;
	s21 =	sshll.u32 s29, $0x12;
	s18 =	sshll.u32 s18, $0x9  }
0x1c: {  	[tilespmem:s17+$0x0 ss:$0x81] =	vst.msk $0xffff, v1;
	s31 =	sor.u32 $0x80, s21;
	s18 =	sadd.s32 s18, s19;
	s30 =	sand.u32 $0x3FFFFFFC, s20  }
0x1d: {  	[hbm4b:s18+s31] =	stream.strided.scatter [tilespmem:s16], [sflag:$0x2], s30, s8, s31, $0x20;
	[tilespmem:$0x8080] =	vst v63  }
.LBB1_5:
0x1e: {  	p1 =	slt.u32 s13, $0x2  }
0x1f: {  	s17 =	smov.u32 s15;
	p2 =	sgt.s32 @!p1 s15, $0xC7;
	s16 =	sshra.s32 @!p1 s15, $0x1F  }
0x20: {  	p3 =	sgt.s32 @!p1 s14, $0xF80;
	s18 =	sshra.s32 @!p1 s14, $0x1F;
	p2 =	por !p2, p1  }
0x21: {  	s15 =	sand.u32 @!p1 s16, s15;
	p3 =	por !p3, p1;
	s16 =	smov.u32 s14  }
0x22: {  	s14 =	sand.u32 @!p1 s18, s14;
	s17 =	simm.s32 @p2 $0xC7;
	s16 =	simm.s32 @p3 $0xF80  }
0x23: {  	s18 =	smov.u32 s12;
	s15 =	ssub.s32 @!p1 s17, s15;
	s14 =	ssub.s32 @!p1 s16, s14  }
0x24: {  	s16 =	sadd.s32 @!p1 $0xFFFFFF39, s15;
	s15 =	ssub.s32 @!p1 $0xC8, s15;
	s17 =	sadd.s32 @!p1 $0xFFFFF080, s14  }
0x25: {  	p2 =	sgt.s32 @!p1 s16, $0x0;
	s15 =	smul.u32 @!p1 $0x3C, s15;
	p3 =	sgt.s32 @!p1 s17, $0x7F  }
0x26: {  	s14 =	ssub.s32 @!p1 $0x1000, s14;
	p2 =	por !p2, p1;
	p3 =	por !p3, p1  }
0x27: {  	s16 =	sadd.s32 $0x1, s11;
	s15 =	simm.s32 @!p2 $0x0;
	s14 =	simm.s32 @!p3 $0x0  }
0x28: {  	p2 =	sgt.s32 s16, $0xC7;
	s14 =	smul.u32 @!p1 s14, s15;
	s15 =	sadd.s32 $0x1000, s12  }
0x29: {  	s18 =	smov.u32 @p2 s15  }
0x2a: {  	s16 =	simm.s32 @p2 $0x0;
	p2 =	sgt.s32 s18, $0xFFF  }
0x2b: {  	s18 =	smov.u32 @p2 s2;
	p2 =	sne.s32 s13, s7  }
.Ltmp1:
0x2c: {  	p0 =	por !p0, !p0;
	s17 =	simm.s32 @!p1 $0x2;
	(pc) =	sbr.rel @!p2 .LBB1_6-.Ltmp1, $4  }
0x2d: {  	s15 =	smov.u32 s9;
	s9 =	smov.u32 s11;
	s14 =	sand.u32 @!p1 $0x3FFFFFFC, s14  }
0x2e: {  	s11 =	smov.u32 s16;
	_ =	swait.ge @!p1 [sflag:s17], s14;
	s19 =	ssub.s32 @!p1 $0x0, s14  }
0x2f: {  	s14 =	smov.u32 s10;
	s13 =	sadd.s32 $0x1, s13;
	[sflag:s17] =	ssyncset.done @!p1 $0x0  }
0x30: {  	s10 =	smov.u32 s12;
	s12 =	smov.u32 s18;
	[sflag:s17] =	ssyncadd.s32 @!p1 s19  }
.LBB1_1:
0x31: {  	p1 =	sge.u32 s13, s5  }
0x32: {  	s16 =	sand.u32 @!p1 $0x1FFFFFF, s11  }
0x33: {  	s17 =	smulhi.u32 @!p1 $0x147AE15, s16;
	_ =	sdelay $0x1  }
0x34: {  	s17 =	smul.u32 @!p1 $0xC8, s17  }
0x35: {  	s18 =	sxor.u32 @!p1 $0xFFFFFFFF, s13;
	s19 =	smul.u32 @!p1 $0xC80, s12  }
0x36: {  	s31 =	sadd.s32 $0xFFFFFFFF, s13;
	s18 =	sshll.u32 @!p1 s18, $0xD;
	s16 =	ssub.s32 @!p1 s16, s17  }
0x37: {  	s17 =	sand.u32 @!p1 $0x2000, s18;
	s18 =	sadd.s32 @!p1 s6, s19;
	s16 =	sshll.u32 @!p1 s16, $0x4  }
0x38: {  	s19 =	simm.s32 @!p1 $0x6400;
	s16 =	sadd.s32 @!p1 s16, s18;
	s18 =	simm.s32 @!p1 $0x40  }
0x39: {  	[tilespmem:s17], [sflag:$0x1] =	stream.strided.gather @!p1 [hbm4b:s16+s18], $0x2000, s19, s18, $0x38;
	[tilespmem:$0x8080] =	vst v63  }
0x3a: {  	p1 =	sge.u32 s31, s5  }
.Ltmp2:
0x3b: {  	_ = 	snop;
	(pc) =	sbr.rel @p1 .LBB1_5-.Ltmp2, $1  }
0x3c: {  	_ =	sdelay $0x3  }
0x3d: {  	s16 =	simm.s32 $0x1  }
0x3e: {  	_ =	swait.ge [sflag:s4], $0x2000;
	s16 =	simm.s32 @!p0 $0x0  }
0x3f: {  	[sflag:s4] =	ssyncset.done $0x0;
	s17 =	sshll.u32 s16, $0xD  }
0x40: {  	[sflag:s4] =	ssyncadd.s32 $0xFFFFE000;
	s20 =	sor.u32 $0x20, s17  }
0x41: {  	s16 =	smul.u32 $0x8100, s16;
	v3 =	vld [tilespmem:s20+$0x10]  }
0x42: {  	s30 =	sand.u32 $0x1, s13;
	v2 =	vld [tilespmem:s20+$0xFFFFFFF0]  }
0x43: {  	s17 =	smul.u32 $0x8100, s30;
	s16 =	sshrl.u32 s16, $0x2;
	v0 =	vld [tilespmem:s20+$0x0]  }
0x44: {  	v1 =	vld [tilespmem:s20+$0xFFFFFFE0];
	s18 =	sor.u32 $0x4000, s16  }
0x45: {  	s31 =	sshrl.u32 s17, $0x2;
	s17 =	sadd.s32 $0x0, s18  }
0x46: {  	s19 =	simm.s32 $0x4;
	s20 =	sadd.s32 $0x40, s20;
	s16 =	sor.u32 $0x4000, s31;
	[tilespmem:s17+$0x1830 ss:$0x81] =	vst.msk $0xffff, v3  }
.LBB1_3:
0x47: {  	v3 =	vld [tilespmem:s20+$0x10];
	p1 =	sne.s32 s19, $0x1FC;
	[tilespmem:s17+$0x810 ss:$0x81] =	vst.msk $0xffff, v2;
	s21 =	smov.u32 s19;
	s19 =	sadd.s32 $0x4, s19  }
.Ltmp3:
0x48: {  	v2 =	vld [tilespmem:s20+$0xFFFFFFF0];
	[tilespmem:s17+$0x1020 ss:$0x81] =	vst.msk $0xffff, v0;
	(pc) =	sbr.rel @p1 .LBB1_3-.Ltmp3, $4  }
0x49: {  	v0 =	vld [tilespmem:s20+$0x0];
	[tilespmem:s17+$0x0 ss:$0x81] =	vst.msk $0xffff, v1  }
0x4a: {  	s17 =	sshra.s32 s21, $0x2;
	v1 =	vld [tilespmem:s20+$0xFFFFFFE0]  }
0x4b: {  	s17 =	sadd.s32 s17, s18  }
0x4c: {  	s20 =	sadd.s32 $0x40, s20;
	[tilespmem:s17+$0x1830 ss:$0x81] =	vst.msk $0xffff, v3  }
.Ltmp4:
0x4d: {  	_ = 	snop;
	(pc) =	sbr.rel .LBB1_4-.Ltmp4, $1  }
0x4e: {  	_ =	sdelay $0x3  }
.LBB1_6:
0x4f: {  	_ =	sfence.sel $0x180000  }
0x50: {  	s2 =	simm.s32 $0x1;
	[bflag:$0x0] =	sbarrier.arrive $0xFFFF  }
0x51: {  	s31 =	simm.s32 $0x2;
	[sflag:s2] =	ssyncpa.u1 $0x1  }
0x52: {  	[sflag:s31] =	ssyncpa.u1 $0x1  }
0x53: {  	p0 =	sne.s32 s0, $0x0;
	_ =	strace $0x9000004A  }
0x54: {  	s0 =	sadd.s32 @!p0 $0x100000, s1;
	[bflag:$0x2] =	sbarrier.arrive $0xFFFF  }
0x55: {  	[sflag:s0] =	ssyncadd.tile.s32 @!p0 $0x1;
	_ =	shalt  }
.Lfunc_end1:
_tile_overlayer_lowered:
.L_overlay_start_2:
0x56: {  	(tag) =	ssettag $0x2  }
0x57: {  	s0 =	rddreg [dreg:$0x0];
	s2 =	stileid.u32  }
0x58: {  	s1 =	rddreg [dreg:$0x1];
	p0 =	sne.s32 s2, $0x0  }
0x59: {  	s3 =	rddreg [dreg:$0x2];
	[bflag:$0x3] =	sbarrier.arrive $0xFFFF;
	s2 =	simm.s32 @!p0 $0x1C01  }
0x5a: {  	[timem:s3], [sflag:s2] =	dma.local @!p0 [hbm:s0], s1  }
0x5b: {  	s0 =	simm.s32 @!p0 $0x1  }
0x5c: {  	_ =	swait.ge @!p0 [sflag:s0], s1  }
0x5d: {  	s1 =	ssub.s32 @!p0 $0x0, s1;
	[sflag:s0] =	ssyncset.done @!p0 $0x0  }
0x5e: {  	[sflag:s0] =	ssyncadd.s32 @!p0 s1  }
0x5f: {  	[bflag:$0x3] =	sbarrier.arrive $0xFFFF  }
0x60: {  	_ =	shalt  }

</sc_bundles>
